<compile_context>
chip_gen: v7x
topology: tpu7x:2x2x1
jax: 0.10.2.dev20260603
libtpu: 0.0.44.dev20260713+nightly
codegen_flags: <defaults>
</compile_context>

<pallas_src>
import jax
import jax.numpy as jnp
from jax import lax
from jax.experimental import pallas as pl
from jax.experimental.pallas import tpu as pltpu

S = 128
K = 8
RADIUS = 1.5
R2 = (2.0 * RADIUS / S) ** 2
INV_R2 = 1.0 / R2
ROWS = 4
PIX = ROWS * S
NBANDS = S // ROWS
SEG = 4096
W = 344
SW = SEG + W
WIDE = 512
EPS = 1e-6


def _raster_body(starts_ref, coords_ref, coordst_ref, feats_ref, out_ref):
    t = pl.program_id(1)
    c_dim = feats_ref.shape[2]
    nb = starts_ref.shape[3]
    pidx = lax.broadcasted_iota(jnp.int32, (1, PIX), 1)
    rowi = t * ROWS + pidx // S
    coli = pidx - (pidx // S) * S
    cx = 1.0 - (2.0 * coli.astype(jnp.float32) + 1.0) / S
    cy = 1.0 - (2.0 * rowi.astype(jnp.float32) + 1.0) / S

    log_t = jnp.zeros((1, PIX), jnp.float32)
    cnt = jnp.zeros((1, PIX), jnp.float32)
    acc = jnp.zeros((c_dim, PIX), jnp.float32)
    for bk in range(nb):
        s = pl.multiple_of(starts_ref[0, 0, 0, bk], 8)
        s128 = pl.multiple_of((s // 128) * 128, 128)
        d = s - s128
        blk = coords_ref[0, pl.ds(s, W), :]
        fblk = feats_ref[0, pl.ds(s, W), :]
        xcol = blk[:, 0:1]
        ycol = blk[:, 1:2]
        zcol = blk[:, 2:3]
        icol = blk[:, 3:4]
        ziwide = coordst_ref[0, 2:4, pl.ds(s128, WIDE)]
        zirot = pltpu.roll(ziwide, -d, axis=1)
        zrow = zirot[0:1, :W]
        irow = zirot[1:2, :W]
        d2 = (xcol - cx) ** 2 + (ycol - cy) ** 2
        m = d2 <= R2
        asq = jnp.sqrt(jnp.maximum(d2 * INV_R2, 0.001))
        l1a = jnp.where(m, 0.5 * jnp.log(jnp.maximum(d2 * INV_R2, 0.001)),
                        0.0)
        mf = m.astype(jnp.float32)
        x2 = jnp.concatenate([l1a, mf], axis=1)
        cmp = jnp.where((zcol < zrow) | ((zcol == zrow) & (icol < irow)),
                        1.0, 0.0)
        e = lax.dot_general(cmp, x2, (((0,), (0,)), ((), ())),
                            preferred_element_type=jnp.float32)
        w = jnp.where(m & (e[:, PIX:] + cnt < (K - 0.5)),
                      (1.0 - asq) * jnp.exp(e[:, :PIX] + log_t), 0.0)
        acc = acc + lax.dot_general(
            fblk, w, (((0,), (0,)), ((), ())),
            preferred_element_type=jnp.float32)
        log_t = log_t + jnp.sum(l1a, axis=0, keepdims=True)
        cnt = cnt + jnp.sum(mf, axis=0, keepdims=True)
    out_ref[0] = acc


def _pad_segments(arr, nb, nt, fill):
    b = arr.shape[0]
    trail = arr.shape[2:]
    a4 = arr.reshape(b, nb, SEG, *trail)
    padv = jnp.full((b, nb, W, *trail), fill, arr.dtype)
    a4 = jnp.concatenate([a4, padv], axis=2).reshape(b, nb * SW, *trail)
    tail = jnp.full((b, nt - nb * SW, *trail), fill, arr.dtype)
    return jnp.concatenate([a4, tail], axis=1)


def kernel(pts, features):
    b, n, _ = pts.shape
    c_dim = features.shape[-1]
    neg = pts * jnp.array([-1.0, -1.0, 1.0], dtype=pts.dtype)
    x = neg[..., 0]
    y = neg[..., 1]
    z = neg[..., 2]
    nb = n // SEG
    nt = nb * SW + WIDE
    order_z = jnp.argsort(z, axis=-1, stable=True)
    y_zs = jnp.take_along_axis(y, order_z, axis=1)
    bucket = (jnp.arange(n, dtype=jnp.int32) // SEG).astype(jnp.float32)
    order2 = jnp.argsort(bucket[None, :] * 4.0 + y_zs, axis=-1, stable=True)
    perm = jnp.take_along_axis(order_z, order2, axis=1)
    xs = jnp.take_along_axis(x, perm, axis=1)
    ys = jnp.take_along_axis(y, perm, axis=1)
    zs = jnp.take_along_axis(z, perm, axis=1)
    permf = perm.astype(jnp.float32)
    xp = _pad_segments(xs, nb, nt, 1e9)
    yp = _pad_segments(ys, nb, nt, 1e9)
    zp = _pad_segments(zs, nb, nt, 1.0)
    ip = _pad_segments(permf, nb, nt, 0.0)
    coordst = jnp.stack([xp, yp, zp, ip], axis=1)
    coords = coordst.transpose(0, 2, 1)
    flat_idx = (perm + (jnp.arange(b, dtype=jnp.int32) * n)[:, None]
                ).reshape(-1)
    feats = features.reshape(b * n, c_dim)[flat_idx].reshape(b, n, c_dim)
    featsp = _pad_segments(feats, nb, nt, 0.0)
    r_eps = 2.0 * RADIUS / S + EPS
    tband = jnp.arange(NBANDS, dtype=jnp.float32)
    ylo = 1.0 - (2.0 * (tband * ROWS + ROWS - 1) + 1.0) / S - r_eps
    ys_seg = ys.reshape(b, nb, SEG)
    s_rel = (ys_seg[:, None, :, :] < ylo[None, :, None, None]).sum(
        axis=-1, dtype=jnp.int32)
    starts = ((s_rel // 8) * 8
              + (jnp.arange(nb, dtype=jnp.int32) * SW)[None, None, :])
    out = pl.pallas_call(
        _raster_body,
        grid=(b, NBANDS),
        in_specs=[
            pl.BlockSpec((1, 1, 1, nb), lambda bi, t: (bi, t, 0, 0),
                         memory_space=pltpu.SMEM),
            pl.BlockSpec((1, nt, 4), lambda bi, t: (bi, 0, 0)),
            pl.BlockSpec((1, 4, nt), lambda bi, t: (bi, 0, 0)),
            pl.BlockSpec((1, nt, c_dim), lambda bi, t: (bi, 0, 0)),
        ],
        out_specs=pl.BlockSpec((1, c_dim, PIX), lambda bi, t: (bi, 0, t)),
        out_shape=jax.ShapeDtypeStruct((b, c_dim, S * S), jnp.float32),
    )(starts.reshape(b, NBANDS, 1, nb), coords, coordst, featsp)
    return out.reshape(b, c_dim, S, S)

# --- scband reference (transcript-rebuilt; emitter-appended) ---
"""Pipeline reference for scband-rasterize-points-xys-blending-24498493456682 (READ-ONLY COPY).

The authoritative reference and input builder live on the scoring server;
editing this copy changes nothing except your own understanding.
"""

import jax, jax.numpy as jnp
import numpy as np
from jax import lax

IMG_SIZE = 128
POINTS_PER_PIXEL = 8
RADIUS = 1.5
GAMMA = 1.0


def _rasterize_and_composite(pts_b, feats_b):
    # pts_b: (N, 3) in NDC (x, y in [-1, 1], z depth > 0); feats_b: (N, C)
    r = float(RADIUS) / float(IMG_SIZE) * 2.0
    r2 = r * r
    S = IMG_SIZE
    K = POINTS_PER_PIXEL
    # PyTorch3D pixel-center NDC convention (+X left, +Y up):
    centers = 1.0 - (2.0 * jnp.arange(S, dtype=jnp.float32) + 1.0) / S
    xs = centers  # (S,) pixel-center x per column
    ys = centers  # (S,) pixel-center y per row
    x = pts_b[:, 0]
    y = pts_b[:, 1]
    z = pts_b[:, 2]

    def row_fn(yc):
        # squared NDC distance from every pixel in this row to every point
        dx2 = (xs[:, None] - x[None, :]) ** 2          # (S, N)
        dy2 = ((yc - y) ** 2)[None, :]                 # (1, N)
        d2 = dx2 + dy2                                 # (S, N)
        mask = (d2 <= r2) & (z[None, :] > 0.0)
        zkey = jnp.where(mask, z[None, :], jnp.inf)
        # K points with smallest z among points covering this pixel
        negz, idx = lax.top_k(-zkey, K)                # (S, K)
        valid = negz > -jnp.inf
        dsel = jnp.take_along_axis(d2, idx, axis=1)
        idx = jnp.where(valid, idx, -1)
        dsel = jnp.where(valid, dsel, -1.0)
        return idx, dsel

    idx, dist = lax.map(row_fn, ys)                    # (S, S, K), (S, S, K)
    dist = dist / r2
    alphas = 1.0 - jnp.clip(dist, 0.001, 1.0) ** (0.5 * GAMMA)
    valid = idx >= 0
    a = jnp.where(valid, alphas, 0.0)
    # exclusive transmittance prod_{j<k} (1 - a_j)
    cum = jnp.cumprod(1.0 - a, axis=-1)
    T = jnp.concatenate([jnp.ones_like(cum[..., :1]), cum[..., :-1]], axis=-1)
    w = a * T                                          # (S, S, K)
    f = feats_b[jnp.maximum(idx, 0)]                   # (S, S, K, C)
    out = jnp.einsum('hwk,hwkc->chw', w, f)            # (C, S, S)
    return out


def setup_inputs(seed: int = 0) -> dict:
    key = jax.random.key(seed)
    k1, k2, k3 = jax.random.split(key, 3)
    xy = jax.random.uniform(k1, (2, 4096, 2), dtype=jnp.float32, minval=-1.0, maxval=1.0)
    z = jax.random.uniform(k2, (2, 4096, 1), dtype=jnp.float32, minval=0.1, maxval=2.0)
    pts = jnp.concatenate([xy, z], axis=-1)
    features = jax.random.normal(k3, (2, 4096, 64), dtype=jnp.float32)
    return {"pts": pts, "features": features}


def reference(pts, features):
    # module negates x and y in-place before rasterizing
    pts = pts * jnp.array([-1.0, -1.0, 1.0], dtype=pts.dtype)
    return jax.vmap(_rasterize_and_composite)(pts, features)

if __name__ == "__main__":
    import jax
    _d = setup_inputs()
    print(jax.jit(kernel)(*tuple(_d.values())))

</pallas_src>

<mosaic_0001>
module attributes {stable_mosaic.version = 14 : i64} {
  func.func @_raster_body(%arg0: i32, %arg1: i32, %arg2: memref<1x1x1x1xi32, #tpu.memory_space<smem>>, %arg3: memref<1x4952x4xf32, #tpu.memory_space<vmem>>, %arg4: memref<1x4x4952xf32, #tpu.memory_space<vmem>>, %arg5: memref<1x4952x64xf32, #tpu.memory_space<vmem>>, %arg6: memref<1x64x512xf32, #tpu.memory_space<vmem>>) attributes {dimension_semantics = [#tpu.dimension_semantics<arbitrary>, #tpu.dimension_semantics<arbitrary>], iteration_bounds = array<i64: 2, 32>, scalar_prefetch = 0 : i64, scratch_operands = 0 : i64, tpu.core_type = #tpu.core_type<tc>, window_params = [{transform_indices = @transform_0, window_bounds = array<i64: 1, 1, 1, 1>}, {transform_indices = @transform_1, window_bounds = array<i64: 1, 4952, 4>}, {transform_indices = @transform_2, window_bounds = array<i64: 1, 4, 4952>}, {transform_indices = @transform_3, window_bounds = array<i64: 1, 4952, 64>}, {transform_indices = @transform_4, window_bounds = array<i64: 1, 64, 512>}]} {
    %iota3A = tpu.iota {dimensions = array<i32: 1>} : vector<1x512xi32>
    %mul3A = arith.constant 4 : i32
    %mul3A_0 = arith.muli %arg1, %mul3A : i32
    %jit3A = arith.constant 128 : i32
    %div3A = vector.broadcast %jit3A : i32 to vector<1x512xi32>
    %div3A_1 = arith.divsi %iota3A, %div3A : vector<1x512xi32>
    %sign3A = arith.constant 0 : i32
    %sign3A_2 = vector.broadcast %sign3A : i32 to vector<1x512xi32>
    %sign3A_3 = arith.cmpi sgt, %iota3A, %sign3A_2 : vector<1x512xi32>
    %sign3A_4 = arith.extui %sign3A_3 : vector<1x512xi1> to vector<1x512xi32>
    %sign3A_5 = arith.constant 0 : i32
    %sign3A_6 = vector.broadcast %sign3A_5 : i32 to vector<1x512xi32>
    %sign3A_7 = arith.cmpi slt, %iota3A, %sign3A_6 : vector<1x512xi32>
    %sign3A_8 = arith.extui %sign3A_7 : vector<1x512xi1> to vector<1x512xi32>
    %sign3A_9 = arith.subi %sign3A_4, %sign3A_8 : vector<1x512xi32>
    %sign3A_10 = arith.constant 0 : i32
    %sign3A_11 = arith.cmpi sgt, %jit3A, %sign3A_10 : i32
    %sign3A_12 = arith.extui %sign3A_11 : i1 to i32
    %sign3A_13 = arith.constant 0 : i32
    %sign3A_14 = arith.cmpi slt, %jit3A, %sign3A_13 : i32
    %sign3A_15 = arith.extui %sign3A_14 : i1 to i32
    %sign3A_16 = arith.subi %sign3A_12, %sign3A_15 : i32
    %ne3A = vector.broadcast %sign3A_16 : i32 to vector<1x512xi32>
    %ne3A_17 = arith.cmpi ne, %sign3A_9, %ne3A : vector<1x512xi32>
    %rem3A = vector.broadcast %jit3A : i32 to vector<1x512xi32>
    %rem3A_18 = arith.remsi %iota3A, %rem3A : vector<1x512xi32>
    %ne3A_19 = arith.constant 0 : i32
    %ne3A_20 = vector.broadcast %ne3A_19 : i32 to vector<1x512xi32>
    %ne3A_21 = arith.cmpi ne, %rem3A_18, %ne3A_20 : vector<1x512xi32>
    %and3A = arith.andi %ne3A_17, %ne3A_21 : vector<1x512xi1>
    %sub3A = arith.constant 1 : i32
    %sub3A_22 = vector.broadcast %sub3A : i32 to vector<1x512xi32>
    %sub3A_23 = arith.subi %div3A_1, %sub3A_22 : vector<1x512xi32>
    %select_n3A = arith.select %and3A, %sub3A_23, %div3A_1 : vector<1x512xi1>, vector<1x512xi32>
    %add3A = vector.broadcast %mul3A_0 : i32 to vector<1x512xi32>
    %add3A_24 = arith.addi %add3A, %select_n3A : vector<1x512xi32>
    %jit3A_25 = arith.constant 128 : i32
    %div3A_26 = vector.broadcast %jit3A_25 : i32 to vector<1x512xi32>
    %div3A_27 = arith.divsi %iota3A, %div3A_26 : vector<1x512xi32>
    %sign3A_28 = arith.constant 0 : i32
    %sign3A_29 = vector.broadcast %sign3A_28 : i32 to vector<1x512xi32>
    %sign3A_30 = arith.cmpi sgt, %iota3A, %sign3A_29 : vector<1x512xi32>
    %sign3A_31 = arith.extui %sign3A_30 : vector<1x512xi1> to vector<1x512xi32>
    %sign3A_32 = arith.constant 0 : i32
    %sign3A_33 = vector.broadcast %sign3A_32 : i32 to vector<1x512xi32>
    %sign3A_34 = arith.cmpi slt, %iota3A, %sign3A_33 : vector<1x512xi32>
    %sign3A_35 = arith.extui %sign3A_34 : vector<1x512xi1> to vector<1x512xi32>
    %sign3A_36 = arith.subi %sign3A_31, %sign3A_35 : vector<1x512xi32>
    %sign3A_37 = arith.constant 0 : i32
    %sign3A_38 = arith.cmpi sgt, %jit3A_25, %sign3A_37 : i32
    %sign3A_39 = arith.extui %sign3A_38 : i1 to i32
    %sign3A_40 = arith.constant 0 : i32
    %sign3A_41 = arith.cmpi slt, %jit3A_25, %sign3A_40 : i32
    %sign3A_42 = arith.extui %sign3A_41 : i1 to i32
    %sign3A_43 = arith.subi %sign3A_39, %sign3A_42 : i32
    %ne3A_44 = vector.broadcast %sign3A_43 : i32 to vector<1x512xi32>
    %ne3A_45 = arith.cmpi ne, %sign3A_36, %ne3A_44 : vector<1x512xi32>
    %rem3A_46 = vector.broadcast %jit3A_25 : i32 to vector<1x512xi32>
    %rem3A_47 = arith.remsi %iota3A, %rem3A_46 : vector<1x512xi32>
    %ne3A_48 = arith.constant 0 : i32
    %ne3A_49 = vector.broadcast %ne3A_48 : i32 to vector<1x512xi32>
    %ne3A_50 = arith.cmpi ne, %rem3A_47, %ne3A_49 : vector<1x512xi32>
    %and3A_51 = arith.andi %ne3A_45, %ne3A_50 : vector<1x512xi1>
    %sub3A_52 = arith.constant 1 : i32
    %sub3A_53 = vector.broadcast %sub3A_52 : i32 to vector<1x512xi32>
    %sub3A_54 = arith.subi %div3A_27, %sub3A_53 : vector<1x512xi32>
    %select_n3A_55 = arith.select %and3A_51, %sub3A_54, %div3A_27 : vector<1x512xi1>, vector<1x512xi32>
    %mul3A_56 = arith.constant 128 : i32
    %mul3A_57 = vector.broadcast %mul3A_56 : i32 to vector<1x512xi32>
    %mul3A_58 = arith.muli %select_n3A_55, %mul3A_57 : vector<1x512xi32>
    %sub3A_59 = arith.subi %iota3A, %mul3A_58 : vector<1x512xi32>
    %convert_element_type3A = arith.sitofp %sub3A_59 : vector<1x512xi32> to vector<1x512xf32>
    %mul3A_60 = arith.constant 2.000000e+00 : f32
    %mul3A_61 = vector.broadcast %mul3A_60 : f32 to vector<1x512xf32>
    %mul3A_62 = arith.mulf %mul3A_61, %convert_element_type3A : vector<1x512xf32>
    %add3A_63 = arith.constant 1.000000e+00 : f32
    %add3A_64 = vector.broadcast %add3A_63 : f32 to vector<1x512xf32>
    %add3A_65 = arith.addf %mul3A_62, %add3A_64 : vector<1x512xf32>
    %div3A_66 = arith.constant 1.280000e+02 : f32
    %div3A_67 = vector.broadcast %div3A_66 : f32 to vector<1x512xf32>
    %div3A_68 = arith.divf %add3A_65, %div3A_67 : vector<1x512xf32>
    %sub3A_69 = arith.constant 1.000000e+00 : f32
    %sub3A_70 = vector.broadcast %sub3A_69 : f32 to vector<1x512xf32>
    %sub3A_71 = arith.subf %sub3A_70, %div3A_68 : vector<1x512xf32>
    %convert_element_type3A_72 = arith.sitofp %add3A_24 : vector<1x512xi32> to vector<1x512xf32>
    %mul3A_73 = arith.constant 2.000000e+00 : f32
    %mul3A_74 = vector.broadcast %mul3A_73 : f32 to vector<1x512xf32>
    %mul3A_75 = arith.mulf %mul3A_74, %convert_element_type3A_72 : vector<1x512xf32>
    %add3A_76 = arith.constant 1.000000e+00 : f32
    %add3A_77 = vector.broadcast %add3A_76 : f32 to vector<1x512xf32>
    %add3A_78 = arith.addf %mul3A_75, %add3A_77 : vector<1x512xf32>
    %div3A_79 = arith.constant 1.280000e+02 : f32
    %div3A_80 = vector.broadcast %div3A_79 : f32 to vector<1x512xf32>
    %div3A_81 = arith.divf %add3A_78, %div3A_80 : vector<1x512xf32>
    %sub3A_82 = arith.constant 1.000000e+00 : f32
    %sub3A_83 = vector.broadcast %sub3A_82 : f32 to vector<1x512xf32>
    %sub3A_84 = arith.subf %sub3A_83, %div3A_81 : vector<1x512xf32>
    %broadcast_in_dim3A = arith.constant 0.000000e+00 : f32
    %broadcast_in_dim3A_85 = vector.broadcast %broadcast_in_dim3A : f32 to vector<1x512xf32>
    %broadcast_in_dim3A_86 = arith.constant 0.000000e+00 : f32
    %broadcast_in_dim3A_87 = vector.broadcast %broadcast_in_dim3A_86 : f32 to vector<1x512xf32>
    %broadcast_in_dim3A_88 = arith.constant 0.000000e+00 : f32
    %broadcast_in_dim3A_89 = vector.broadcast %broadcast_in_dim3A_88 : f32 to vector<64x512xf32>
    %get3A = arith.constant 0 : index
    %get3A_90 = arith.constant 0 : index
    %get3A_91 = arith.constant 0 : index
    %get3A_92 = arith.constant 0 : index
    %get3A_93 = memref.load %arg2[%get3A, %get3A_90, %get3A_91, %get3A_92] : memref<1x1x1x1xi32, #tpu.memory_space<smem>>
    %multiple_of3A = tpu.assume_multiple %get3A_93, 8 : i32
    %jit3A_94 = arith.constant 128 : i32
    %div3A_95 = arith.divsi %multiple_of3A, %jit3A_94 : i32
    %sign3A_96 = arith.constant 0 : i32
    %sign3A_97 = arith.cmpi sgt, %multiple_of3A, %sign3A_96 : i32
    %sign3A_98 = arith.extui %sign3A_97 : i1 to i32
    %sign3A_99 = arith.constant 0 : i32
    %sign3A_100 = arith.cmpi slt, %multiple_of3A, %sign3A_99 : i32
    %sign3A_101 = arith.extui %sign3A_100 : i1 to i32
    %sign3A_102 = arith.subi %sign3A_98, %sign3A_101 : i32
    %sign3A_103 = arith.constant 0 : i32
    %sign3A_104 = arith.cmpi sgt, %jit3A_94, %sign3A_103 : i32
    %sign3A_105 = arith.extui %sign3A_104 : i1 to i32
    %sign3A_106 = arith.constant 0 : i32
    %sign3A_107 = arith.cmpi slt, %jit3A_94, %sign3A_106 : i32
    %sign3A_108 = arith.extui %sign3A_107 : i1 to i32
    %sign3A_109 = arith.subi %sign3A_105, %sign3A_108 : i32
    %ne3A_110 = arith.cmpi ne, %sign3A_102, %sign3A_109 : i32
    %rem3A_111 = arith.remsi %multiple_of3A, %jit3A_94 : i32
    %ne3A_112 = arith.constant 0 : i32
    %ne3A_113 = arith.cmpi ne, %rem3A_111, %ne3A_112 : i32
    %and3A_114 = arith.andi %ne3A_110, %ne3A_113 : i1
    %sub3A_115 = arith.constant 1 : i32
    %sub3A_116 = arith.subi %div3A_95, %sub3A_115 : i32
    %select_n3A_117 = arith.select %and3A_114, %sub3A_116, %div3A_95 : i32
    %mul3A_118 = arith.constant 128 : i32
    %mul3A_119 = arith.muli %select_n3A_117, %mul3A_118 : i32
    %multiple_of3A_120 = tpu.assume_multiple %mul3A_119, 128 : i32
    %sub3A_121 = arith.subi %multiple_of3A, %multiple_of3A_120 : i32
    %get3A_122 = arith.constant 0 : index
    %get3A_123 = arith.index_cast %multiple_of3A : i32 to index
    %get3A_124 = arith.constant 0 : index
    %get3A_125 = vector.load %arg3[%get3A_122, %get3A_123, %get3A_124] : memref<1x4952x4xf32, #tpu.memory_space<vmem>>, vector<1x344x4xf32>
    %get3A_126 = vector.shape_cast %get3A_125 : vector<1x344x4xf32> to vector<344x4xf32>
    %get3A_127 = arith.constant 0 : index
    %get3A_128 = arith.index_cast %multiple_of3A : i32 to index
    %get3A_129 = arith.constant 0 : index
    %get3A_130 = vector.load %arg5[%get3A_127, %get3A_128, %get3A_129] : memref<1x4952x64xf32, #tpu.memory_space<vmem>>, vector<1x344x64xf32>
    %get3A_131 = vector.shape_cast %get3A_130 : vector<1x344x64xf32> to vector<344x64xf32>
    %slice3A = vector.extract_strided_slice %get3A_126 {offsets = [0, 0], sizes = [344, 1], strides = [1, 1]} : vector<344x4xf32> to vector<344x1xf32>
    %slice3A_132 = vector.extract_strided_slice %get3A_126 {offsets = [0, 1], sizes = [344, 1], strides = [1, 1]} : vector<344x4xf32> to vector<344x1xf32>
    %slice3A_133 = vector.extract_strided_slice %get3A_126 {offsets = [0, 2], sizes = [344, 1], strides = [1, 1]} : vector<344x4xf32> to vector<344x1xf32>
    %slice3A_134 = vector.extract_strided_slice %get3A_126 {offsets = [0, 3], sizes = [344, 1], strides = [1, 1]} : vector<344x4xf32> to vector<344x1xf32>
    %get3A_135 = arith.constant 0 : index
    %get3A_136 = arith.constant 2 : index
    %get3A_137 = arith.index_cast %multiple_of3A_120 : i32 to index
    %get3A_138 = vector.load %arg4[%get3A_135, %get3A_136, %get3A_137] : memref<1x4x4952xf32, #tpu.memory_space<vmem>>, vector<1x2x512xf32>
    %get3A_139 = vector.shape_cast %get3A_138 : vector<1x2x512xf32> to vector<2x512xf32>
    %neg3A = arith.constant 0 : i32
    %neg3A_140 = arith.subi %neg3A, %sub3A_121 : i32
    %roll3A = tpu.dynamic_rotate %get3A_139 by %neg3A_140 dim 1 : vector<2x512xf32>, i32 -> vector<2x512xf32>
    %slice3A_141 = vector.extract_strided_slice %roll3A {offsets = [0, 0], sizes = [1, 344], strides = [1, 1]} : vector<2x512xf32> to vector<1x344xf32>
    %slice3A_142 = vector.extract_strided_slice %roll3A {offsets = [1, 0], sizes = [1, 344], strides = [1, 1]} : vector<2x512xf32> to vector<1x344xf32>
    %sub3A_143 = vector.broadcast %slice3A : vector<344x1xf32> to vector<344x512xf32>
    %sub3A_144 = vector.broadcast %sub3A_71 : vector<1x512xf32> to vector<344x512xf32>
    %sub3A_145 = arith.subf %sub3A_143, %sub3A_144 : vector<344x512xf32>
    %integer_pow3A = arith.mulf %sub3A_145, %sub3A_145 : vector<344x512xf32>
    %sub3A_146 = vector.broadcast %slice3A_132 : vector<344x1xf32> to vector<344x512xf32>
    %sub3A_147 = vector.broadcast %sub3A_84 : vector<1x512xf32> to vector<344x512xf32>
    %sub3A_148 = arith.subf %sub3A_146, %sub3A_147 : vector<344x512xf32>
    %integer_pow3A_149 = arith.mulf %sub3A_148, %sub3A_148 : vector<344x512xf32>
    %add3A_150 = arith.addf %integer_pow3A, %integer_pow3A_149 : vector<344x512xf32>
    %le3A = arith.constant 5.49316406E-4 : f32
    %le3A_151 = vector.broadcast %le3A : f32 to vector<344x512xf32>
    %le3A_152 = arith.cmpf ole, %add3A_150, %le3A_151 : vector<344x512xf32>
    %mul3A_153 = arith.constant 1820.44446 : f32
    %mul3A_154 = vector.broadcast %mul3A_153 : f32 to vector<344x512xf32>
    %mul3A_155 = arith.mulf %add3A_150, %mul3A_154 : vector<344x512xf32>
    %max3A = arith.constant 1.000000e-03 : f32
    %max3A_156 = vector.broadcast %max3A : f32 to vector<344x512xf32>
    %max3A_157 = arith.maximumf %mul3A_155, %max3A_156 : vector<344x512xf32>
    %sqrt3A = math.sqrt %max3A_157 : vector<344x512xf32>
    %mul3A_158 = arith.constant 1820.44446 : f32
    %mul3A_159 = vector.broadcast %mul3A_158 : f32 to vector<344x512xf32>
    %mul3A_160 = arith.mulf %add3A_150, %mul3A_159 : vector<344x512xf32>
    %max3A_161 = arith.constant 1.000000e-03 : f32
    %max3A_162 = vector.broadcast %max3A_161 : f32 to vector<344x512xf32>
    %max3A_163 = arith.maximumf %mul3A_160, %max3A_162 : vector<344x512xf32>
    %log3A = math.log %max3A_163 : vector<344x512xf32>
    %mul3A_164 = arith.constant 5.000000e-01 : f32
    %mul3A_165 = vector.broadcast %mul3A_164 : f32 to vector<344x512xf32>
    %mul3A_166 = arith.mulf %mul3A_165, %log3A : vector<344x512xf32>
    %jit3A_167 = arith.constant 0.000000e+00 : f32
    %broadcast_in_dim3A_168 = vector.broadcast %jit3A_167 : f32 to vector<344x512xf32>
    %select_n3A_169 = arith.select %le3A_152, %mul3A_166, %broadcast_in_dim3A_168 : vector<344x512xi1>, vector<344x512xf32>
    %convert_element_type3A_170 = arith.extui %le3A_152 : vector<344x512xi1> to vector<344x512xi32>
    %convert_element_type3A_171 = arith.sitofp %convert_element_type3A_170 : vector<344x512xi32> to vector<344x512xf32>
    %concatenate3A = tpu.concatenate %select_n3A_169, %convert_element_type3A_171 in 1 : vector<344x512xf32>, vector<344x512xf32> -> vector<344x1024xf32>
    %lt3A = vector.broadcast %slice3A_133 : vector<344x1xf32> to vector<344x344xf32>
    %lt3A_172 = vector.broadcast %slice3A_141 : vector<1x344xf32> to vector<344x344xf32>
    %lt3A_173 = arith.cmpf olt, %lt3A, %lt3A_172 : vector<344x344xf32>
    %eq3A = vector.broadcast %slice3A_133 : vector<344x1xf32> to vector<344x344xf32>
    %eq3A_174 = vector.broadcast %slice3A_141 : vector<1x344xf32> to vector<344x344xf32>
    %eq3A_175 = arith.cmpf oeq, %eq3A, %eq3A_174 : vector<344x344xf32>
    %lt3A_176 = vector.broadcast %slice3A_134 : vector<344x1xf32> to vector<344x344xf32>
    %lt3A_177 = vector.broadcast %slice3A_142 : vector<1x344xf32> to vector<344x344xf32>
    %lt3A_178 = arith.cmpf olt, %lt3A_176, %lt3A_177 : vector<344x344xf32>
    %and3A_179 = arith.andi %eq3A_175, %lt3A_178 : vector<344x344xi1>
    %or3A = arith.ori %lt3A_173, %and3A_179 : vector<344x344xi1>
    %jit3A_180 = arith.constant 1.000000e+00 : f32
    %jit3A_181 = arith.constant 0.000000e+00 : f32
    %broadcast_in_dim3A_182 = vector.broadcast %jit3A_180 : f32 to vector<344x344xf32>
    %broadcast_in_dim3A_183 = vector.broadcast %jit3A_181 : f32 to vector<344x344xf32>
    %select_n3A_184 = arith.select %or3A, %broadcast_in_dim3A_182, %broadcast_in_dim3A_183 : vector<344x344xi1>, vector<344x344xf32>
    %dot_general3A = arith.constant dense<0.000000e+00> : vector<344x1024xf32>
    %dot_general3A_185 = tpu.matmul %select_n3A_184, %concatenate3A, %dot_general3A {dimension_numbers = #tpu.dot_dimension_numbers<[0], [0], [1], [1], [0, 1, 1, 1], [], []>, transpose_lhs_hint = false} : vector<344x344xf32>, vector<344x1024xf32>, vector<344x1024xf32> -> vector<344x1024xf32>
    %slice3A_186 = vector.extract_strided_slice %dot_general3A_185 {offsets = [0, 512], sizes = [344, 512], strides = [1, 1]} : vector<344x1024xf32> to vector<344x512xf32>
    %add3A_187 = vector.broadcast %broadcast_in_dim3A_87 : vector<1x512xf32> to vector<344x512xf32>
    %add3A_188 = arith.addf %slice3A_186, %add3A_187 : vector<344x512xf32>
    %lt3A_189 = arith.constant 7.500000e+00 : f32
    %lt3A_190 = vector.broadcast %lt3A_189 : f32 to vector<344x512xf32>
    %lt3A_191 = arith.cmpf olt, %add3A_188, %lt3A_190 : vector<344x512xf32>
    %and3A_192 = arith.andi %le3A_152, %lt3A_191 : vector<344x512xi1>
    %sub3A_193 = arith.constant 1.000000e+00 : f32
    %sub3A_194 = vector.broadcast %sub3A_193 : f32 to vector<344x512xf32>
    %sub3A_195 = arith.subf %sub3A_194, %sqrt3A : vector<344x512xf32>
    %slice3A_196 = vector.extract_strided_slice %dot_general3A_185 {offsets = [0, 0], sizes = [344, 512], strides = [1, 1]} : vector<344x1024xf32> to vector<344x512xf32>
    %add3A_197 = vector.broadcast %broadcast_in_dim3A_85 : vector<1x512xf32> to vector<344x512xf32>
    %add3A_198 = arith.addf %slice3A_196, %add3A_197 : vector<344x512xf32>
    %exp3A = math.exp %add3A_198 : vector<344x512xf32>
    %mul3A_199 = arith.mulf %sub3A_195, %exp3A : vector<344x512xf32>
    %jit3A_200 = arith.constant 0.000000e+00 : f32
    %broadcast_in_dim3A_201 = vector.broadcast %jit3A_200 : f32 to vector<344x512xf32>
    %select_n3A_202 = arith.select %and3A_192, %mul3A_199, %broadcast_in_dim3A_201 : vector<344x512xi1>, vector<344x512xf32>
    %dot_general3A_203 = arith.constant dense<0.000000e+00> : vector<64x512xf32>
    %dot_general3A_204 = tpu.matmul %get3A_131, %select_n3A_202, %dot_general3A_203 {dimension_numbers = #tpu.dot_dimension_numbers<[0], [0], [1], [1], [0, 1, 1, 1], [], []>, transpose_lhs_hint = false} : vector<344x64xf32>, vector<344x512xf32>, vector<64x512xf32> -> vector<64x512xf32>
    %add3A_205 = arith.addf %broadcast_in_dim3A_89, %dot_general3A_204 : vector<64x512xf32>
    %swap3A = arith.constant 0 : index
    %swap3A_206 = arith.constant 0 : index
    %swap3A_207 = arith.constant 0 : index
    %swap3A_208 = vector.load %arg6[%swap3A, %swap3A_206, %swap3A_207] : memref<1x64x512xf32, #tpu.memory_space<vmem>>, vector<1x64x512xf32>
    %swap3A_209 = vector.shape_cast %swap3A_208 : vector<1x64x512xf32> to vector<64x512xf32>
    %swap3A_210 = vector.shape_cast %add3A_205 : vector<64x512xf32> to vector<1x64x512xf32>
    tpu.vector_store %arg6[%swap3A, %swap3A_206, %swap3A_207], %swap3A_210 {strides = array<i32>} : memref<1x64x512xf32, #tpu.memory_space<vmem>>, vector<1x64x512xf32>,
    return
  }
  func.func @transform_0(%arg0: i32, %arg1: i32) -> (i32, i32, i32, i32) {
    %c0_i32 = arith.constant 0 : i32
    %c0_i32_0 = arith.constant 0 : i32
    %c0_i32_1 = arith.constant 0 : i32
    return %arg0, %arg1, %c0_i32, %c0_i32_0 : i32, i32, i32, i32
  }
  func.func @transform_1(%arg0: i32, %arg1: i32) -> (i32, i32, i32) {
    %c0_i32 = arith.constant 0 : i32
    %c0_i32_0 = arith.constant 0 : i32
    %c0_i32_1 = arith.constant 0 : i32
    return %arg0, %c0_i32, %c0_i32_0 : i32, i32, i32
  }
  func.func @transform_2(%arg0: i32, %arg1: i32) -> (i32, i32, i32) {
    %c0_i32 = arith.constant 0 : i32
    %c0_i32_0 = arith.constant 0 : i32
    %c0_i32_1 = arith.constant 0 : i32
    return %arg0, %c0_i32, %c0_i32_0 : i32, i32, i32
  }
  func.func @transform_3(%arg0: i32, %arg1: i32) -> (i32, i32, i32) {
    %c0_i32 = arith.constant 0 : i32
    %c0_i32_0 = arith.constant 0 : i32
    %c0_i32_1 = arith.constant 0 : i32
    return %arg0, %c0_i32, %c0_i32_0 : i32, i32, i32
  }
  func.func @transform_4(%arg0: i32, %arg1: i32) -> (i32, i32, i32) {
    %c0_i32 = arith.constant 0 : i32
    %c0_i32_0 = arith.constant 0 : i32
    return %arg0, %c0_i32, %arg1 : i32, i32, i32
  }
}

</mosaic_0001>

<sc_bundles>
// kernel: gather_offload_async_start.1
scs
__scs_entry_jumppad:
0x0: {  	(pc) =	sbr.rel $0x88, $3  }
0x1: {  	(tag) =	ssettag $0x0;
	lr =	simm.s32 $0x1  }
0x2: {  	[smem:$0x3F9F] =	sst lr;
	_ =	strace $0xD0000000  }
0x3: {  	_ = 	snop  }
0x4: {  	_ = 	snop  }
0x5: {  	_ = 	snop  }
0x6: {  	_ = 	snop  }
0x7: {  	_ = 	snop  }
__scs_overlays_trampoline_lowered:
0x8: {  	[smem:$0x3FAE] =	sst s0  }
0x9: {  	[smem:$0x3FAF] =	sst s1  }
0xa: {  	[smem:$0x3FB0] =	sst s2  }
0xb: {  	[smem:$0x3FB1] =	sst s3  }
0xc: {  	[smem:$0x3FB2] =	sst s4  }
0xd: {  	[smem:$0x3FB3] =	sst s5  }
0xe: {  	[smem:$0x3FB4] =	sst s6  }
0xf: {  	[smem:$0x3FB5] =	sst s7  }
0x10: {  	[smem:$0x3FB6] =	sst s8  }
0x11: {  	[smem:$0x3FB7] =	sst s9;
	s0 =	simm.s32 @!p0 $0x0  }
0x12: {  	s1 =	sld [smem:$0x3F9D];
	s0 =	simm.s32 @p0 $0x1  }
0x13: {  	[smem:$0x3FB8] =	sst s0;
	s0 =	simm.s32 @!p1 $0x0  }
0x14: {  	s2 =	sld [smem:$0x3F9C];
	s0 =	simm.s32 @p1 $0x1  }
0x15: {  	[smem:$0x3FB9] =	sst s0;
	s0 =	simm.s32 @!p2 $0x0  }
0x16: {  	s3 =	sld [smem:$0x3FDB];
	s0 =	simm.s32 @p2 $0x1  }
0x17: {  	s4 =	simm.s32 $0x1BF5;
	[smem:$0x3FBB] =	sst s0  }
0x18: {  	s0 =	sld [smem:$0x3F9E];
	_ =	swait.ge [sflag:s4], $0x0  }
0x19: {  	s7 =	sld [smem:$0x3F9F]  }
0x1a: {  	s8 =	sadd.s32 $0xFFFFE003, lr  }
0x1b: {  	s9 =	sadd.s32 $0xFFFFFEF7, lr;
	s5 =	simm.s32 $0xFFFFFFFF;
	p2 =	slt.u32 s8, $0xFFFFF086  }
0x1c: {  	p1 =	slt.u32 s9, $0xF7A;
	s5 =	simm.s32 @!p2 $0x0  }
0x1d: {  	s5 =	simm.s32 @p1 $0x1;
	p0 =	seq.s32 s7, s2  }
0x1e: {  	s7 =	smul.u32 @!p0 $0xF7A, s2;
	p2 =	seq.s32 @!p0 s5, $0x0  }
0x1f: {  	s9 =	smul.u32 $0xF7A, s1;
	s8 =	simm.s32 @!p0 $0x1BF5;
	p2 =	por !p2, p0  }
0x20: {  	[sflag:s8] =	ssyncset.s32 @!p0 $0xFFFFF086;
	s6 =	sadd.s32 @!p0 s3, s7;
	s7 =	simm.s32 @!p0 $0x108  }
0x21: {  	s3 =	sadd.s32 s3, s9;
	s6 =	sadd.s32 @!p0 $0x88, s6;
	s7 =	simm.s32 @p2 $0x1082  }
0x22: {  	[simem:s7], [sflag:s8] =	dma.local @!p0 [hbm:s6], $0xF7A  }
0x23: {  	s9 =	sor.u32 $0xD0000000, s2;
	s6 =	simm.s32 $0x108;
	_ =	swait.ge @!p0 [sflag:s8], $0x0  }
0x24: {  	s3 =	sadd.s32 $0x88, s3;
	s6 =	simm.s32 @!p1 $0x1082;
	[sflag:s4] =	ssyncset.s32 $0xFFFFF086  }
0x25: {  	[simem:s6], [sflag:s4] =	dma.local [hbm:s3], $0xF7A  }
0x26: {  	[smem:$0x3F9F] =	sst s1;
	(tag) =	ssettag s2;
	_ =	strace s9  }
0x27: {  	s1 =	sld [smem:$0x3FAF]  }
0x28: {  	s2 =	sld [smem:$0x3FB0]  }
0x29: {  	s4 =	sld [smem:$0x3FB2]  }
0x2a: {  	p0 =	seq.s32 s5, $0x0;
	s5 =	sld [smem:$0x3FB3]  }
0x2b: {  	s6 =	sld [smem:$0x3FB4]  }
0x2c: {  	s7 =	sld [smem:$0x3FB5]  }
0x2d: {  	s3 =	simm.s32 $0x108;
	s8 =	sld [smem:$0x3FB6]  }
0x2e: {  	s3 =	simm.s32 @!p0 $0x1082;
	s9 =	sld [smem:$0x3FB7]  }
0x2f: {  	lr =	sadd.s32 s0, s3;
	s0 =	sld [smem:$0x3FAE]  }
0x30: {  	s3 =	sld [smem:$0x3FB1]  }
0x31: {  	[smem:$0x3FBA] =	sst s10  }
0x32: {  	s10 =	sld [smem:$0x3FB8];
	_ =	sdelay $0x3  }
0x33: {  	p0 =	seq.s32 s10, $0x1;
	s10 =	sld [smem:$0x3FBA];
	_ =	sdelay $0x3  }
0x34: {  	[smem:$0x3FBA] =	sst s10  }
0x35: {  	s10 =	sld [smem:$0x3FB9];
	_ =	sdelay $0x3  }
0x36: {  	p1 =	seq.s32 s10, $0x1;
	s10 =	sld [smem:$0x3FBA];
	_ =	sdelay $0x3  }
0x37: {  	[smem:$0x3FBA] =	sst s10  }
0x38: {  	s10 =	sld [smem:$0x3FBB]  }
0x39: {  	_ = 	snop;
	(pc) =	sbr.ind lr, $3  }
0x3a: {  	_ = 	snop  }
0x3b: {  	_ = 	snop  }
0x3c: {  	p2 =	seq.s32 s10, $0x1;
	s10 =	sld [smem:$0x3FBA]  }
0x3d: {  	_ =	shalt  }
0x3e: {  	_ =	shalt  }
0x3f: {  	_ =	shalt  }
0x40: {  	_ =	shalt  }
0x41: {  	_ =	shalt  }
0x42: {  	_ =	shalt  }
0x43: {  	_ =	shalt  }
0x44: {  	_ =	shalt  }
0x45: {  	_ =	shalt  }
0x46: {  	_ =	shalt  }
0x47: {  	_ =	shalt  }
0x48: {  	_ =	shalt  }
0x49: {  	_ =	shalt  }
0x4a: {  	_ =	shalt  }
0x4b: {  	_ =	shalt  }
0x4c: {  	_ =	shalt  }
0x4d: {  	_ =	shalt  }
0x4e: {  	_ =	shalt  }
0x4f: {  	_ =	shalt  }
0x50: {  	_ =	shalt  }
0x51: {  	_ =	shalt  }
0x52: {  	_ =	shalt  }
0x53: {  	_ =	shalt  }
0x54: {  	_ =	shalt  }
0x55: {  	_ =	shalt  }
0x56: {  	_ =	shalt  }
0x57: {  	_ =	shalt  }
0x58: {  	_ =	shalt  }
0x59: {  	_ =	shalt  }
0x5a: {  	_ =	shalt  }
0x5b: {  	_ =	shalt  }
0x5c: {  	_ =	shalt  }
0x5d: {  	_ =	shalt  }
0x5e: {  	_ =	shalt  }
0x5f: {  	_ =	shalt  }
0x60: {  	_ =	shalt  }
0x61: {  	_ =	shalt  }
0x62: {  	_ =	shalt  }
0x63: {  	_ =	shalt  }
0x64: {  	_ =	shalt  }
0x65: {  	_ =	shalt  }
0x66: {  	_ =	shalt  }
0x67: {  	_ =	shalt  }
0x68: {  	_ =	shalt  }
0x69: {  	_ =	shalt  }
0x6a: {  	_ =	shalt  }
0x6b: {  	_ =	shalt  }
0x6c: {  	_ =	shalt  }
0x6d: {  	_ =	shalt  }
0x6e: {  	_ =	shalt  }
0x6f: {  	_ =	shalt  }
0x70: {  	_ =	shalt  }
0x71: {  	_ =	shalt  }
0x72: {  	_ =	shalt  }
0x73: {  	_ =	shalt  }
0x74: {  	_ =	shalt  }
0x75: {  	_ =	shalt  }
0x76: {  	_ =	shalt  }
0x77: {  	_ =	shalt  }
0x78: {  	_ =	shalt  }
0x79: {  	_ =	shalt  }
0x7a: {  	_ =	shalt  }
0x7b: {  	_ =	shalt  }
0x7c: {  	_ =	shalt  }
0x7d: {  	_ =	shalt  }
0x7e: {  	_ =	shalt  }
0x7f: {  	_ =	shalt  }
0x80: {  	_ =	shalt  }
0x81: {  	_ =	shalt  }
0x82: {  	_ =	shalt  }
0x83: {  	_ =	shalt  }
0x84: {  	_ =	shalt  }
0x85: {  	_ =	shalt  }
0x86: {  	_ =	shalt  }
0x87: {  	_ =	shalt  }
.Lfunc_end0:
.L_simem_size_0:
called_computation.1_lowered:
.L_overlay_start_0:
0x88: {  	s2 =	sld [smem:$0x3FD9]  }
0x89: {  	s3 =	sld [smem:$0x3FFE];
	_ =	sdelay $0x1  }
0x8a: {  	s1 =	srdreg.scid  }
0x8b: {  	s0 =	sand.u32 $0x1, s1  }
0x8c: {  	s16 =	sshll.u32 s0, $0xA;
	s2 =	sadd.s32 s3, s2  }
0x8d: {  	s2 =	sadd.s32 s2, s16  }
0x8e: {  	[smem:$0x3FC6] =	sst s2  }
0x8f: {  	_ = 	snop  }
0x90: {  	(tm) =	ssettm $0x1  }
0x91: {  	s17 =	sld [smem:$0x3FFB];
	_ =	sdelay $0x3  }
0x92: {  	_ =	strace s17  }
0x93: {  	s2 =	sld [smem:$0x3FFC];
	_ =	sdelay $0x3  }
0x94: {  	_ =	strace s2  }
0x95: {  	s2 =	sld [smem:$0x3FFD];
	_ =	sdelay $0x3  }
0x96: {  	_ =	strace s2  }
0x97: {  	_ =	strace $0x8FFFFFFF  }
0x98: {  	s18 =	sld [smem:$0x3FDB];
	_ =	sdelay $0x1  }
0x99: {  	s19 =	simm.s32 $_scs_section_size  }
0x9a: {  	s4 =	simm.s32 $_size__tile_overlayer_lowered;
	s5 =	simm.s32 $_tile_overlayer_lowered  }
0x9b: {  	s22 =	simm.s32 $0x1BFF;
	s21 =	sshll.u32 s5, $0x1;
	s2 =	sadd.s32 s19, s18  }
0x9c: {  	s6 =	simm.s32 $0x0;
	s20 =	sshll.u32 s4, $0x1;
	s4 =	sadd.s32 s21, s2  }
0x9d: {  	[timem:s6], [sflag:s22] =	dma.local [hbm:s4], s20  }
0x9e: {  	_ =	swait.ge [sflag:s22], s20  }
0x9f: {  	s3 =	ssub.s32 $0x0, s20;
	[sflag:s22] =	ssyncset.done $0x0  }
0xa0: {  	[sflag:s22] =	ssyncadd.s32 s3;
	_ =	sdelay $0x1  }
0xa1: {  	s23 =	simm.s32 $0x1B8B  }
0xa2: {  	_ =	swait.ge [sflag:s23], $0x1  }
0xa3: {  	[sflag:s23] =	ssyncset.done $0x0  }
0xa4: {  	s25 =	simm.s32 $0x1B8E;
	s24 =	sld [smem:$0x3FFE];
	[sflag:s23] =	ssyncadd.s32 $0xFFFFFFFF  }
0xa5: {  	s26 =	simm.s32 $execute0_lowered;
	[smem:$0x3FD2] =	sst s25  }
0xa6: {  	s4 =	sshll.u32 s26, $0x1;
	_ =	strace $0x80000049;
	[dreg:$0x1] =	wrdreg $0xFFFFFFFF  }
0xa7: {  	s28 =	simm.s32 $_size_execute0_lowered;
	s2 =	sadd.s32 s2, s4;
	[dreg:$0x0] =	wrdreg $0x0  }
0xa8: {  	s4 =	sshll.u32 s28, $0x1;
	[dreg:$0x2] =	wrdreg s2  }
0xa9: {  	[dreg:$0x3] =	wrdreg s4  }
0xaa: {  	[dreg:$0x4] =	wrdreg $0xC0  }
0xab: {  	_ =	task [dreg:s6], $0x5FFFF  }
0xac: {  	[dreg:$0x1] =	wrdreg $0xFFFFFFFF  }
0xad: {  	[dreg:$0x0] =	wrdreg $0x60  }
0xae: {  	[dreg:$0x2] =	wrdreg s24  }
0xaf: {  	[dreg:$0x3] =	wrdreg $0x9  }
0xb0: {  	_ =	task.clear_ibuf [dreg:s6], $0x4FFFF;
	_ =	strace $0x90000049  }
0xb1: {  	s29 =	simm.s32 $0x9;
	_ =	strace $0x8000004B  }
0xb2: {  	_ =	swait.ge [sflag:s29], $0x1  }
0xb3: {  	[sflag:s29] =	ssyncadd.s32 $0xFFFFFFFF  }
0xb4: {  	_ =	strace $0x9000004B  }
0xb5: {  	_ =	sfence  }
0xb6: {  	s30 =	sld [smem:$0x0];
	_ =	sdelay $0x2  }
0xb7: {  	s31 =	sshll.u32 s1, $0xD;
	s1 =	sshrl.u32 s1, $0x2  }
0xb8: {  	s3 =	sand.u32 $0x4000, s31;
	s1 =	sadd.s32 s1, s30  }
0xb9: {  	s0 =	sor.u32 s3, s0;
	s1 =	sshll.u32 s1, $0x11  }
0xba: {  	s0 =	sor.u32 s1, s0  }
0xbb: {  	s0 =	sadd.s32 $0x8F2B, s0  }
0xbc: {  	[sflag:s0] =	ssyncadd.remote.s32 $0x1  }
0xbd: {  	_ =	sfence.sel $0xFFFF  }
0xbe: {  	[dreg:$0x0] =	wrdreg $0xFFFFFFFF;
	(pc) =	sbr.abs _section_cstart, $3  }
0xbf: {  	[dreg:$0x1] =	wrdreg $0xFFFFFFFF  }
0xc0: {  	_ =	task.clear_ibuf [dreg:s6], $0x2FFFF;
	_ =	strace $0x9FFFFFFF  }
0xc1: {  	(tm) =	ssettm $0x7FFFFFFF  }
tec
execute0_lowered:
.L_overlay_start_1:
0x0: {  	(tag) =	ssettag $0x1  }
0x1: {  	s0 =	srdreg.scid;
	s5 =	rddreg [dreg:$0x0]  }
0x2: {  	s1 =	stileid.u32;
	s6 =	simm.s32 $0x1;
	s9 =	simm.s32 $0x1  }
0x3: {  	s10 =	simm.s32 $0x3;
	s13 =	simm.s32 $0x0;
	s2 =	sshll.u32 s0, $0x7  }
0x4: {  	s12 =	simm.s32 $0x0;
	s3 =	sshll.u32 s1, $0x8;
	s2 =	sand.u32 $0x80, s2  }
0x5: {  	s0 =	rddreg [dreg:$0x1];
	_ =	strace $0x8000004A;
	s2 =	sor.u32 s3, s2  }
0x6: {  	s4 =	sadd.s32 $0x1200, s5;
	[sflag:s6] =	ssyncpa.u1 $0x0;
	s8 =	ssub.s32 $0x2000, s2  }
.Ltmp0:
0x7: {  	s3 =	sadd.s32 $0xE00, s5;
	s7 =	sand.u32 $0xF80, s8;
	(pc) =	sbr.rel .LBB2_1-.Ltmp0, $4  }
0x8: {  	s5 =	sadd.s32 $0x1600, s5;
	s11 =	smov.u32 s2;
	p0 =	sne.s32 s7, $0x0  }
0x9: {  	s8 =	sshrl.u32 s8, $0xC;
	s7 =	simm.s32 $0x2;
	s9 =	simm.s32 @!p0 $0x0  }
0xa: {  	[sflag:s7] =	ssyncpa.u1 $0x0;
	p0 =	por $0x0, $0x0;
	s8 =	sadd.s32 s9, s8  }
0xb: {  	vm0 =	vmmov $0xffff;
	[sflag:s10] =	ssyncpa.u1 $0x0;
	s10 =	simm.s32 $0x0;
	s9 =	sadd.s32 $0x1, s8  }
.LBB2_4:
0xc: {  	v5 =	vld.msk [tilespmem:s18+$0x0 ss:$0x1], $0xffff  }
0xd: {  	v6 =	vand.u32 $0x1, v1;
	v7 =	vshrl.u32 v1, $0x1  }
0xe: {  	v3 =	vor.u32 v4, v3;
	vm1 =	veq.s32 v1, $0x80000000;
	v53 =	vand.u32 $0xFFF, v7  }
0xf: {  	v2 =	vor.u32 v2, v3;
	v54 =	vsel vm1, $0xFFFFFFFF, v6;
	v1 =	vsel vm1, $0xFFFFFFFF, v53  }
0x10: {  	v6 =	vshll.u32 v54, $0x7;
	v3 =	vand.u32 $0xFFFFE000, v54;
	v55 =	vand.u32 $0x7F, v1  }
0x11: {  	v1 =	vshll.u32 v1, $0x1;
	v6 =	vand.u32 $0x80, v6;
	v56 =	vshrl.u32 v5, $0x1  }
0x12: {  	v1 =	vand.u32 $0xFFFFFF00, v1;
	vm1 =	veq.s32 v5, $0x80000000;
	v57 =	vand.u32 $0xFFF, v56  }
0x13: {  	v1 =	vadd.s32 v3, v1;
	v5 =	vand.u32 $0x1, v5;
	v3 =	vsel vm1, $0xFFFFFFFF, v57  }
0x14: {  	v1 =	vor.u32 v6, v1;
	v5 =	vsel vm1, $0xFFFFFFFF, v5;
	v58 =	vshll.u32 v3, $0x1  }
0x15: {  	v59 =	vshll.u32 v5, $0x7;
	v5 =	vand.u32 $0xFFFFE000, v5;
	v6 =	vand.u32 $0xFFFFFF00, v58  }
0x16: {  	v1 =	vor.u32 v55, v1;
	v61 =	vand.u32 $0x80, v59;
	v60 =	vadd.s32 v5, v6  }
0x17: {  	[tilespmem:s16], [sflag:$0x1] =	stream.indirect_vreg.gather [hbm4b:s3+s10], $0x1, v0, vm0, $0x4038;
	v62 =	vand.u32 $0x7F, v3;
	v63 =	vor.u32 v61, v60;
	[tilespmem:$0x200] =	vst v63  }
0x18: {  	(ifvalue) =	ssetifvalue $0x7FFFFFFF;
	v0 =	vor.u32 v62, v63  }
0x19: {  	[tilespmem:s15], [sflag:$0x1] =	stream.indirect_vreg.gather [hbm4b:s3+s10], $0x1, v2, vm0, $0x4038;
	[tilespmem:$0x200] =	vst v63  }
0x1a: {  	s29 =	sadd.s32 $0x10, s15;
	(ifvalue) =	ssetifvalue $0x7FFFFFFF  }
0x1b: {  	[tilespmem:s29], [sflag:$0x1] =	stream.indirect_vreg.gather [hbm4b:s3+s10], $0x1, v1, vm0, $0x4038;
	[tilespmem:$0x200] =	vst v63  }
0x1c: {  	s15 =	sadd.s32 $0x10, s29;
	(ifvalue) =	ssetifvalue $0x7FFFFFFF  }
0x1d: {  	[tilespmem:s15], [sflag:$0x1] =	stream.indirect_vreg.gather [hbm4b:s3+s10], $0x1, v0, vm0, $0x4038;
	[tilespmem:$0x200] =	vst v63  }
0x1e: {  	_ =	swait.ge [sflag:s6], $0x80  }
0x1f: {  	s30 =	sshrl.u32 s13, $0x3;
	[sflag:s6] =	ssyncset.done $0x0  }
0x20: {  	s31 =	sand.u32 $0x7, s13;
	s15 =	sadd.s32 s5, s30;
	[sflag:s6] =	ssyncadd.s32 $0xFFFFFF80  }
0x21: {  	[hbm4b:s15+s31] =	stream.linear.scatter [tilespmem:s14], [sflag:$0x3], $0x80, $0x38;
	[tilespmem:$0x200] =	vst v63  }
.LBB2_5:
0x22: {  	s15 =	sadd.s32 $0x1000, s11  }
0x23: {  	p2 =	sgt.s32 s15, $0x1FFF  }
0x24: {  	s15 =	smov.u32 @p2 s2;
	p2 =	sne.s32 s12, s9  }
.Ltmp1:
0x25: {  	p1 =	slt.u32 s12, $0x2;
	(pc) =	sbr.rel @!p2 .LBB2_6-.Ltmp1, $4  }
0x26: {  	s14 =	simm.s32 @!p1 $0x3  }
0x27: {  	s16 =	sadd.s32 $0x1, s12;
	_ =	swait.ge @!p1 [sflag:s14], $0x80  }
0x28: {  	s13 =	smov.u32 s11;
	p0 =	por !p0, !p0;
	[sflag:s14] =	ssyncset.done @!p1 $0x0  }
0x29: {  	s12 =	smov.u32 s16;
	s11 =	smov.u32 s15;
	[sflag:s14] =	ssyncadd.s32 @!p1 $0xFFFFFF80  }
.LBB2_1:
0x2a: {  	p1 =	sge.u32 s12, s8  }
0x2b: {  	s14 =	sxor.u32 @!p1 $0xFFFFFFFF, s12  }
0x2c: {  	s31 =	sadd.s32 $0xFFFFFFFF, s12;
	s15 =	sshrl.u32 @!p1 s11, $0x3;
	s14 =	sshll.u32 @!p1 s14, $0x7  }
0x2d: {  	s16 =	sand.u32 @!p1 $0x7, s11;
	s15 =	sadd.s32 @!p1 s4, s15;
	s14 =	sand.u32 @!p1 $0x80, s14  }
0x2e: {  	[tilespmem:s14], [sflag:$0x2] =	stream.linear.gather @!p1 [hbm4b:s15+s16], $0x80, $0x38;
	[tilespmem:$0x200] =	vst v63  }
0x2f: {  	p1 =	sge.u32 s31, s8  }
.Ltmp2:
0x30: {  	_ = 	snop;
	(pc) =	sbr.rel @p1 .LBB2_5-.Ltmp2, $1  }
0x31: {  	_ =	sdelay $0x3  }
0x32: {  	s14 =	simm.s32 $0x1  }
0x33: {  	_ =	swait.ge [sflag:s7], $0x80;
	s14 =	simm.s32 @!p0 $0x0  }
0x34: {  	[sflag:s7] =	ssyncset.done $0x0;
	s14 =	sshll.u32 s14, $0x7  }
0x35: {  	[sflag:s7] =	ssyncadd.s32 $0xFFFFFF80;
	(ifvalue) =	ssetifvalue $0x7FFFFFFF;
	v0 =	vld.msk [tilespmem:s14+$0x0 ss:$0x1], $0xffff;
	_ =	sdelay $0x4  }
0x36: {  	s15 =	sadd.s32 $0x10, s14;
	v2 =	vshrl.u32 v0, $0x1  }
0x37: {  	v1 =	vld.msk [tilespmem:s15+$0x0 ss:$0x1], $0xffff;
	vm1 =	veq.s32 v0, $0x80000000;
	v2 =	vand.u32 $0xFFF, v2  }
0x38: {  	v0 =	vand.u32 $0x1, v0;
	v2 =	vsel vm1, $0xFFFFFFFF, v2  }
0x39: {  	v0 =	vsel vm1, $0xFFFFFFFF, v0;
	v3 =	vshll.u32 v2, $0x1  }
0x3a: {  	v4 =	vand.u32 $0xFFFFE000, v0;
	v0 =	vshll.u32 v0, $0x7;
	v3 =	vand.u32 $0xFFFFFF00, v3  }
0x3b: {  	v0 =	vand.u32 $0x80, v0;
	v3 =	vadd.s32 v4, v3  }
0x3c: {  	v2 =	vand.u32 $0x7F, v2;
	v4 =	vshrl.u32 v1, $0x1;
	v0 =	vor.u32 v0, v3  }
0x3d: {  	vm1 =	veq.s32 v1, $0x80000000;
	v4 =	vand.u32 $0xFFF, v4;
	v0 =	vor.u32 v2, v0  }
0x3e: {  	s16 =	sshll.u32 s12, $0x7;
	s15 =	sadd.s32 $0x10, s15;
	v1 =	vand.u32 $0x1, v1;
	v3 =	vsel vm1, $0xFFFFFFFF, v4  }
0x3f: {  	s17 =	sand.u32 $0x80, s16;
	v2 =	vsel vm1, $0xFFFFFFFF, v1;
	v1 =	vld.msk [tilespmem:s15+$0x0 ss:$0x1], $0xffff;
	v4 =	vshll.u32 v3, $0x1  }
0x40: {  	s16 =	sor.u32 $0x100, s14;
	s14 =	sor.u32 $0x100, s17;
	s17 =	simm.s32 $0x30;
	v5 =	vshll.u32 v2, $0x7;
	v6 =	vand.u32 $0xFFFFE000, v2;
	v4 =	vand.u32 $0xFFFFFF00, v4  }
0x41: {  	s18 =	sadd.s32 $0x10, s15;
	(ifvalue) =	ssetifvalue $0x7FFFFFFF;
	s15 =	sadd.s32 $0x10, s16;
	v2 =	vand.u32 $0x7F, v3;
	v3 =	vadd.s32 v6, v4;
	v4 =	vand.u32 $0x80, v5  }
.LBB2_3:
0x42: {  	[tilespmem:s16], [sflag:$0x1] =	stream.indirect_vreg.gather [hbm4b:s3+s10], $0x1, v0, vm0, $0x4038;
	[tilespmem:$0x200] =	vst v63  }
0x43: {  	s17 =	sadd.s32 $0x10, s17  }
0x44: {  	v5 =	vand.u32 $0x1, v1;
	v6 =	vshrl.u32 v1, $0x1;
	v3 =	vor.u32 v4, v3;
	v0 =	vmovc v1;
	v1 =	vld.msk [tilespmem:s18+$0x0 ss:$0x1], $0xffff;
	p1 =	slt.u32 s17, $0x70  }
.Ltmp3:
0x45: {  	s16 =	smov.u32 s15;
	vm1 =	veq.s32 v0, $0x80000000;
	v4 =	vand.u32 $0xFFF, v6;
	v0 =	vor.u32 v2, v3;
	(pc) =	sbr.rel @p1 .LBB2_3-.Ltmp3, $4  }
0x46: {  	v3 =	vsel vm1, $0xFFFFFFFF, v5;
	v4 =	vsel vm1, $0xFFFFFFFF, v4  }
0x47: {  	v2 =	vand.u32 $0x7F, v4;
	v4 =	vshll.u32 v4, $0x1;
	v5 =	vshll.u32 v3, $0x7  }
0x48: {  	v3 =	vand.u32 $0xFFFFE000, v3;
	v4 =	vand.u32 $0xFFFFFF00, v4  }
0x49: {  	s18 =	sadd.s32 $0x10, s18;
	s15 =	sadd.s32 $0x10, s15;
	v3 =	vadd.s32 v3, v4;
	v4 =	vand.u32 $0x80, v5;
	(ifvalue) =	ssetifvalue $0x7FFFFFFF  }
.Ltmp4:
0x4a: {  	_ = 	snop;
	(pc) =	sbr.rel .LBB2_4-.Ltmp4, $1  }
0x4b: {  	_ =	sdelay $0x3  }
.LBB2_6:
0x4c: {  	_ =	sfence.sel $0x180000  }
0x4d: {  	s2 =	simm.s32 $0x2;
	[bflag:$0x0] =	sbarrier.arrive $0xFFFF  }
0x4e: {  	s30 =	simm.s32 $0x3;
	[sflag:s2] =	ssyncpa.u1 $0x1  }
0x4f: {  	s31 =	simm.s32 $0x1;
	[sflag:s30] =	ssyncpa.u1 $0x1  }
0x50: {  	[sflag:s31] =	ssyncpa.u1 $0x1  }
0x51: {  	p0 =	sne.s32 s1, $0x0;
	_ =	strace $0x9000004A  }
0x52: {  	s0 =	sadd.s32 @!p0 $0x100000, s0;
	[bflag:$0x2] =	sbarrier.arrive $0xFFFF  }
0x53: {  	[sflag:s0] =	ssyncadd.tile.s32 @!p0 $0x1;
	_ =	shalt  }
.Lfunc_end2:
_tile_overlayer_lowered:
.L_overlay_start_2:
0x54: {  	(tag) =	ssettag $0x2  }
0x55: {  	s0 =	rddreg [dreg:$0x0];
	s2 =	stileid.u32  }
0x56: {  	s1 =	rddreg [dreg:$0x1];
	p0 =	sne.s32 s2, $0x0  }
0x57: {  	s3 =	rddreg [dreg:$0x2];
	[bflag:$0x3] =	sbarrier.arrive $0xFFFF;
	s2 =	simm.s32 @!p0 $0x1C01  }
0x58: {  	[timem:s3], [sflag:s2] =	dma.local @!p0 [hbm:s0], s1  }
0x59: {  	s0 =	simm.s32 @!p0 $0x1  }
0x5a: {  	_ =	swait.ge @!p0 [sflag:s0], s1  }
0x5b: {  	s1 =	ssub.s32 @!p0 $0x0, s1;
	[sflag:s0] =	ssyncset.done @!p0 $0x0  }
0x5c: {  	[sflag:s0] =	ssyncadd.s32 @!p0 s1  }
0x5d: {  	[bflag:$0x3] =	sbarrier.arrive $0xFFFF  }
0x5e: {  	_ =	shalt  }

// kernel: gather_offload_async_start.2
scs
__scs_entry_jumppad:
0x0: {  	(pc) =	sbr.rel $0x88, $3  }
0x1: {  	(tag) =	ssettag $0x0;
	lr =	simm.s32 $0x1  }
0x2: {  	[smem:$0x3F9F] =	sst lr;
	_ =	strace $0xD0000000  }
0x3: {  	_ = 	snop  }
0x4: {  	_ = 	snop  }
0x5: {  	_ = 	snop  }
0x6: {  	_ = 	snop  }
0x7: {  	_ = 	snop  }
__scs_overlays_trampoline_lowered:
0x8: {  	[smem:$0x3FAE] =	sst s0  }
0x9: {  	[smem:$0x3FAF] =	sst s1  }
0xa: {  	[smem:$0x3FB0] =	sst s2  }
0xb: {  	[smem:$0x3FB1] =	sst s3  }
0xc: {  	[smem:$0x3FB2] =	sst s4  }
0xd: {  	[smem:$0x3FB3] =	sst s5  }
0xe: {  	[smem:$0x3FB4] =	sst s6  }
0xf: {  	[smem:$0x3FB5] =	sst s7  }
0x10: {  	[smem:$0x3FB6] =	sst s8  }
0x11: {  	[smem:$0x3FB7] =	sst s9;
	s0 =	simm.s32 @!p0 $0x0  }
0x12: {  	s1 =	sld [smem:$0x3F9D];
	s0 =	simm.s32 @p0 $0x1  }
0x13: {  	[smem:$0x3FB8] =	sst s0;
	s0 =	simm.s32 @!p1 $0x0  }
0x14: {  	s2 =	sld [smem:$0x3F9C];
	s0 =	simm.s32 @p1 $0x1  }
0x15: {  	[smem:$0x3FB9] =	sst s0;
	s0 =	simm.s32 @!p2 $0x0  }
0x16: {  	s3 =	sld [smem:$0x3FDB];
	s0 =	simm.s32 @p2 $0x1  }
0x17: {  	s4 =	simm.s32 $0x1BF5;
	[smem:$0x3FBB] =	sst s0  }
0x18: {  	s0 =	sld [smem:$0x3F9E];
	_ =	swait.ge [sflag:s4], $0x0  }
0x19: {  	s7 =	sld [smem:$0x3F9F]  }
0x1a: {  	s8 =	sadd.s32 $0xFFFFE003, lr  }
0x1b: {  	s9 =	sadd.s32 $0xFFFFFEF7, lr;
	s5 =	simm.s32 $0xFFFFFFFF;
	p2 =	slt.u32 s8, $0xFFFFF086  }
0x1c: {  	p1 =	slt.u32 s9, $0xF7A;
	s5 =	simm.s32 @!p2 $0x0  }
0x1d: {  	s5 =	simm.s32 @p1 $0x1;
	p0 =	seq.s32 s7, s2  }
0x1e: {  	s7 =	smul.u32 @!p0 $0xF7A, s2;
	p2 =	seq.s32 @!p0 s5, $0x0  }
0x1f: {  	s9 =	smul.u32 $0xF7A, s1;
	s8 =	simm.s32 @!p0 $0x1BF5;
	p2 =	por !p2, p0  }
0x20: {  	[sflag:s8] =	ssyncset.s32 @!p0 $0xFFFFF086;
	s6 =	sadd.s32 @!p0 s3, s7;
	s7 =	simm.s32 @!p0 $0x108  }
0x21: {  	s3 =	sadd.s32 s3, s9;
	s6 =	sadd.s32 @!p0 $0x88, s6;
	s7 =	simm.s32 @p2 $0x1082  }
0x22: {  	[simem:s7], [sflag:s8] =	dma.local @!p0 [hbm:s6], $0xF7A  }
0x23: {  	s9 =	sor.u32 $0xD0000000, s2;
	s6 =	simm.s32 $0x108;
	_ =	swait.ge @!p0 [sflag:s8], $0x0  }
0x24: {  	s3 =	sadd.s32 $0x88, s3;
	s6 =	simm.s32 @!p1 $0x1082;
	[sflag:s4] =	ssyncset.s32 $0xFFFFF086  }
0x25: {  	[simem:s6], [sflag:s4] =	dma.local [hbm:s3], $0xF7A  }
0x26: {  	[smem:$0x3F9F] =	sst s1;
	(tag) =	ssettag s2;
	_ =	strace s9  }
0x27: {  	s1 =	sld [smem:$0x3FAF]  }
0x28: {  	s2 =	sld [smem:$0x3FB0]  }
0x29: {  	s4 =	sld [smem:$0x3FB2]  }
0x2a: {  	p0 =	seq.s32 s5, $0x0;
	s5 =	sld [smem:$0x3FB3]  }
0x2b: {  	s6 =	sld [smem:$0x3FB4]  }
0x2c: {  	s7 =	sld [smem:$0x3FB5]  }
0x2d: {  	s3 =	simm.s32 $0x108;
	s8 =	sld [smem:$0x3FB6]  }
0x2e: {  	s3 =	simm.s32 @!p0 $0x1082;
	s9 =	sld [smem:$0x3FB7]  }
0x2f: {  	lr =	sadd.s32 s0, s3;
	s0 =	sld [smem:$0x3FAE]  }
0x30: {  	s3 =	sld [smem:$0x3FB1]  }
0x31: {  	[smem:$0x3FBA] =	sst s10  }
0x32: {  	s10 =	sld [smem:$0x3FB8];
	_ =	sdelay $0x3  }
0x33: {  	p0 =	seq.s32 s10, $0x1;
	s10 =	sld [smem:$0x3FBA];
	_ =	sdelay $0x3  }
0x34: {  	[smem:$0x3FBA] =	sst s10  }
0x35: {  	s10 =	sld [smem:$0x3FB9];
	_ =	sdelay $0x3  }
0x36: {  	p1 =	seq.s32 s10, $0x1;
	s10 =	sld [smem:$0x3FBA];
	_ =	sdelay $0x3  }
0x37: {  	[smem:$0x3FBA] =	sst s10  }
0x38: {  	s10 =	sld [smem:$0x3FBB]  }
0x39: {  	_ = 	snop;
	(pc) =	sbr.ind lr, $3  }
0x3a: {  	_ = 	snop  }
0x3b: {  	_ = 	snop  }
0x3c: {  	p2 =	seq.s32 s10, $0x1;
	s10 =	sld [smem:$0x3FBA]  }
0x3d: {  	_ =	shalt  }
0x3e: {  	_ =	shalt  }
0x3f: {  	_ =	shalt  }
0x40: {  	_ =	shalt  }
0x41: {  	_ =	shalt  }
0x42: {  	_ =	shalt  }
0x43: {  	_ =	shalt  }
0x44: {  	_ =	shalt  }
0x45: {  	_ =	shalt  }
0x46: {  	_ =	shalt  }
0x47: {  	_ =	shalt  }
0x48: {  	_ =	shalt  }
0x49: {  	_ =	shalt  }
0x4a: {  	_ =	shalt  }
0x4b: {  	_ =	shalt  }
0x4c: {  	_ =	shalt  }
0x4d: {  	_ =	shalt  }
0x4e: {  	_ =	shalt  }
0x4f: {  	_ =	shalt  }
0x50: {  	_ =	shalt  }
0x51: {  	_ =	shalt  }
0x52: {  	_ =	shalt  }
0x53: {  	_ =	shalt  }
0x54: {  	_ =	shalt  }
0x55: {  	_ =	shalt  }
0x56: {  	_ =	shalt  }
0x57: {  	_ =	shalt  }
0x58: {  	_ =	shalt  }
0x59: {  	_ =	shalt  }
0x5a: {  	_ =	shalt  }
0x5b: {  	_ =	shalt  }
0x5c: {  	_ =	shalt  }
0x5d: {  	_ =	shalt  }
0x5e: {  	_ =	shalt  }
0x5f: {  	_ =	shalt  }
0x60: {  	_ =	shalt  }
0x61: {  	_ =	shalt  }
0x62: {  	_ =	shalt  }
0x63: {  	_ =	shalt  }
0x64: {  	_ =	shalt  }
0x65: {  	_ =	shalt  }
0x66: {  	_ =	shalt  }
0x67: {  	_ =	shalt  }
0x68: {  	_ =	shalt  }
0x69: {  	_ =	shalt  }
0x6a: {  	_ =	shalt  }
0x6b: {  	_ =	shalt  }
0x6c: {  	_ =	shalt  }
0x6d: {  	_ =	shalt  }
0x6e: {  	_ =	shalt  }
0x6f: {  	_ =	shalt  }
0x70: {  	_ =	shalt  }
0x71: {  	_ =	shalt  }
0x72: {  	_ =	shalt  }
0x73: {  	_ =	shalt  }
0x74: {  	_ =	shalt  }
0x75: {  	_ =	shalt  }
0x76: {  	_ =	shalt  }
0x77: {  	_ =	shalt  }
0x78: {  	_ =	shalt  }
0x79: {  	_ =	shalt  }
0x7a: {  	_ =	shalt  }
0x7b: {  	_ =	shalt  }
0x7c: {  	_ =	shalt  }
0x7d: {  	_ =	shalt  }
0x7e: {  	_ =	shalt  }
0x7f: {  	_ =	shalt  }
0x80: {  	_ =	shalt  }
0x81: {  	_ =	shalt  }
0x82: {  	_ =	shalt  }
0x83: {  	_ =	shalt  }
0x84: {  	_ =	shalt  }
0x85: {  	_ =	shalt  }
0x86: {  	_ =	shalt  }
0x87: {  	_ =	shalt  }
.Lfunc_end0:
.L_simem_size_0:
called_computation.2_lowered:
.L_overlay_start_0:
0x88: {  	s2 =	sld [smem:$0x3FD9]  }
0x89: {  	s3 =	sld [smem:$0x3FFE];
	_ =	sdelay $0x1  }
0x8a: {  	s1 =	srdreg.scid  }
0x8b: {  	s0 =	sand.u32 $0x1, s1  }
0x8c: {  	s16 =	sshll.u32 s0, $0xA;
	s2 =	sadd.s32 s3, s2  }
0x8d: {  	s2 =	sadd.s32 s2, s16  }
0x8e: {  	[smem:$0x3FC6] =	sst s2  }
0x8f: {  	_ = 	snop  }
0x90: {  	(tm) =	ssettm $0x1  }
0x91: {  	s17 =	sld [smem:$0x3FFB];
	_ =	sdelay $0x3  }
0x92: {  	_ =	strace s17  }
0x93: {  	s2 =	sld [smem:$0x3FFC];
	_ =	sdelay $0x3  }
0x94: {  	_ =	strace s2  }
0x95: {  	s2 =	sld [smem:$0x3FFD];
	_ =	sdelay $0x3  }
0x96: {  	_ =	strace s2  }
0x97: {  	_ =	strace $0x8FFFFFFF  }
0x98: {  	s18 =	sld [smem:$0x3FDB];
	_ =	sdelay $0x1  }
0x99: {  	s19 =	simm.s32 $_scs_section_size  }
0x9a: {  	s4 =	simm.s32 $_size__tile_overlayer_lowered;
	s5 =	simm.s32 $_tile_overlayer_lowered  }
0x9b: {  	s22 =	simm.s32 $0x1BFF;
	s21 =	sshll.u32 s5, $0x1;
	s2 =	sadd.s32 s19, s18  }
0x9c: {  	s6 =	simm.s32 $0x0;
	s20 =	sshll.u32 s4, $0x1;
	s4 =	sadd.s32 s21, s2  }
0x9d: {  	[timem:s6], [sflag:s22] =	dma.local [hbm:s4], s20  }
0x9e: {  	_ =	swait.ge [sflag:s22], s20  }
0x9f: {  	s3 =	ssub.s32 $0x0, s20;
	[sflag:s22] =	ssyncset.done $0x0  }
0xa0: {  	[sflag:s22] =	ssyncadd.s32 s3;
	_ =	sdelay $0x1  }
0xa1: {  	s23 =	simm.s32 $0x1B8B  }
0xa2: {  	_ =	swait.ge [sflag:s23], $0x1  }
0xa3: {  	[sflag:s23] =	ssyncset.done $0x0  }
0xa4: {  	s25 =	simm.s32 $0x1B8E;
	s24 =	sld [smem:$0x3FFE];
	[sflag:s23] =	ssyncadd.s32 $0xFFFFFFFF  }
0xa5: {  	s26 =	simm.s32 $execute0_lowered;
	[smem:$0x3FD2] =	sst s25  }
0xa6: {  	s4 =	sshll.u32 s26, $0x1;
	_ =	strace $0x80000046;
	[dreg:$0x1] =	wrdreg $0xFFFFFFFF  }
0xa7: {  	s28 =	simm.s32 $_size_execute0_lowered;
	s2 =	sadd.s32 s2, s4;
	[dreg:$0x0] =	wrdreg $0x0  }
0xa8: {  	s4 =	sshll.u32 s28, $0x1;
	[dreg:$0x2] =	wrdreg s2  }
0xa9: {  	[dreg:$0x3] =	wrdreg s4  }
0xaa: {  	[dreg:$0x4] =	wrdreg $0xC0  }
0xab: {  	_ =	task [dreg:s6], $0x5FFFF  }
0xac: {  	[dreg:$0x1] =	wrdreg $0xFFFFFFFF  }
0xad: {  	[dreg:$0x0] =	wrdreg $0x60  }
0xae: {  	[dreg:$0x2] =	wrdreg s24  }
0xaf: {  	[dreg:$0x3] =	wrdreg $0x9  }
0xb0: {  	_ =	task.clear_ibuf [dreg:s6], $0x4FFFF;
	_ =	strace $0x90000046  }
0xb1: {  	s29 =	simm.s32 $0x9;
	_ =	strace $0x80000048  }
0xb2: {  	_ =	swait.ge [sflag:s29], $0x1  }
0xb3: {  	[sflag:s29] =	ssyncadd.s32 $0xFFFFFFFF  }
0xb4: {  	_ =	strace $0x90000048  }
0xb5: {  	_ =	sfence  }
0xb6: {  	s30 =	sld [smem:$0x0];
	_ =	sdelay $0x2  }
0xb7: {  	s31 =	sshll.u32 s1, $0xD;
	s1 =	sshrl.u32 s1, $0x2  }
0xb8: {  	s3 =	sand.u32 $0x4000, s31;
	s1 =	sadd.s32 s1, s30  }
0xb9: {  	s0 =	sor.u32 s3, s0;
	s1 =	sshll.u32 s1, $0x11  }
0xba: {  	s0 =	sor.u32 s1, s0  }
0xbb: {  	s0 =	sadd.s32 $0x8F2B, s0  }
0xbc: {  	[sflag:s0] =	ssyncadd.remote.s32 $0x1  }
0xbd: {  	_ =	sfence.sel $0xFFFF  }
0xbe: {  	[dreg:$0x0] =	wrdreg $0xFFFFFFFF;
	(pc) =	sbr.abs _section_cstart, $3  }
0xbf: {  	[dreg:$0x1] =	wrdreg $0xFFFFFFFF  }
0xc0: {  	_ =	task.clear_ibuf [dreg:s6], $0x2FFFF;
	_ =	strace $0x9FFFFFFF  }
0xc1: {  	(tm) =	ssettm $0x7FFFFFFF  }
tec
execute0_lowered:
.L_overlay_start_1:
0x0: {  	(tag) =	ssettag $0x1  }
0x1: {  	s0 =	srdreg.scid;
	s5 =	rddreg [dreg:$0x0]  }
0x2: {  	s1 =	stileid.u32;
	s6 =	simm.s32 $0x1;
	s9 =	simm.s32 $0x1  }
0x3: {  	s10 =	simm.s32 $0x3;
	s13 =	simm.s32 $0x0;
	s2 =	sshll.u32 s0, $0x7  }
0x4: {  	s12 =	simm.s32 $0x0;
	s3 =	sshll.u32 s1, $0x8;
	s2 =	sand.u32 $0x80, s2  }
0x5: {  	s0 =	rddreg [dreg:$0x1];
	_ =	strace $0x80000047;
	s2 =	sor.u32 s3, s2  }
0x6: {  	s4 =	sadd.s32 $0x1200, s5;
	[sflag:s6] =	ssyncpa.u1 $0x0;
	s8 =	ssub.s32 $0x2000, s2  }
.Ltmp0:
0x7: {  	s3 =	sadd.s32 $0x600, s5;
	s7 =	sand.u32 $0xF80, s8;
	(pc) =	sbr.rel .LBB2_1-.Ltmp0, $4  }
0x8: {  	s5 =	sadd.s32 $0x1600, s5;
	s11 =	smov.u32 s2;
	p0 =	sne.s32 s7, $0x0  }
0x9: {  	s8 =	sshrl.u32 s8, $0xC;
	s7 =	simm.s32 $0x2;
	s9 =	simm.s32 @!p0 $0x0  }
0xa: {  	[sflag:s7] =	ssyncpa.u1 $0x0;
	p0 =	por $0x0, $0x0;
	s8 =	sadd.s32 s9, s8  }
0xb: {  	vm0 =	vmmov $0xffff;
	[sflag:s10] =	ssyncpa.u1 $0x0;
	s10 =	simm.s32 $0x0;
	s9 =	sadd.s32 $0x1, s8  }
.LBB2_4:
0xc: {  	v5 =	vld.msk [tilespmem:s18+$0x0 ss:$0x1], $0xffff  }
0xd: {  	v6 =	vand.u32 $0x1, v1;
	v7 =	vshrl.u32 v1, $0x1  }
0xe: {  	v3 =	vor.u32 v4, v3;
	vm1 =	veq.s32 v1, $0x80000000;
	v53 =	vand.u32 $0xFFF, v7  }
0xf: {  	v2 =	vor.u32 v2, v3;
	v54 =	vsel vm1, $0xFFFFFFFF, v6;
	v1 =	vsel vm1, $0xFFFFFFFF, v53  }
0x10: {  	v6 =	vshll.u32 v54, $0x7;
	v3 =	vand.u32 $0xFFFFE000, v54;
	v55 =	vand.u32 $0x7F, v1  }
0x11: {  	v1 =	vshll.u32 v1, $0x1;
	v6 =	vand.u32 $0x80, v6;
	v56 =	vshrl.u32 v5, $0x1  }
0x12: {  	v1 =	vand.u32 $0xFFFFFF00, v1;
	vm1 =	veq.s32 v5, $0x80000000;
	v57 =	vand.u32 $0xFFF, v56  }
0x13: {  	v1 =	vadd.s32 v3, v1;
	v5 =	vand.u32 $0x1, v5;
	v3 =	vsel vm1, $0xFFFFFFFF, v57  }
0x14: {  	v1 =	vor.u32 v6, v1;
	v5 =	vsel vm1, $0xFFFFFFFF, v5;
	v58 =	vshll.u32 v3, $0x1  }
0x15: {  	v59 =	vshll.u32 v5, $0x7;
	v5 =	vand.u32 $0xFFFFE000, v5;
	v6 =	vand.u32 $0xFFFFFF00, v58  }
0x16: {  	v1 =	vor.u32 v55, v1;
	v61 =	vand.u32 $0x80, v59;
	v60 =	vadd.s32 v5, v6  }
0x17: {  	[tilespmem:s16], [sflag:$0x1] =	stream.indirect_vreg.gather [hbm4b:s3+s10], $0x1, v0, vm0, $0x4038;
	v62 =	vand.u32 $0x7F, v3;
	v63 =	vor.u32 v61, v60;
	[tilespmem:$0x200] =	vst v63  }
0x18: {  	(ifvalue) =	ssetifvalue $0x7FFFFFFF;
	v0 =	vor.u32 v62, v63  }
0x19: {  	[tilespmem:s15], [sflag:$0x1] =	stream.indirect_vreg.gather [hbm4b:s3+s10], $0x1, v2, vm0, $0x4038;
	[tilespmem:$0x200] =	vst v63  }
0x1a: {  	s29 =	sadd.s32 $0x10, s15;
	(ifvalue) =	ssetifvalue $0x7FFFFFFF  }
0x1b: {  	[tilespmem:s29], [sflag:$0x1] =	stream.indirect_vreg.gather [hbm4b:s3+s10], $0x1, v1, vm0, $0x4038;
	[tilespmem:$0x200] =	vst v63  }
0x1c: {  	s15 =	sadd.s32 $0x10, s29;
	(ifvalue) =	ssetifvalue $0x7FFFFFFF  }
0x1d: {  	[tilespmem:s15], [sflag:$0x1] =	stream.indirect_vreg.gather [hbm4b:s3+s10], $0x1, v0, vm0, $0x4038;
	[tilespmem:$0x200] =	vst v63  }
0x1e: {  	_ =	swait.ge [sflag:s6], $0x80  }
0x1f: {  	s30 =	sshrl.u32 s13, $0x3;
	[sflag:s6] =	ssyncset.done $0x0  }
0x20: {  	s31 =	sand.u32 $0x7, s13;
	s15 =	sadd.s32 s5, s30;
	[sflag:s6] =	ssyncadd.s32 $0xFFFFFF80  }
0x21: {  	[hbm4b:s15+s31] =	stream.linear.scatter [tilespmem:s14], [sflag:$0x3], $0x80, $0x38;
	[tilespmem:$0x200] =	vst v63  }
.LBB2_5:
0x22: {  	s15 =	sadd.s32 $0x1000, s11  }
0x23: {  	p2 =	sgt.s32 s15, $0x1FFF  }
0x24: {  	s15 =	smov.u32 @p2 s2;
	p2 =	sne.s32 s12, s9  }
.Ltmp1:
0x25: {  	p1 =	slt.u32 s12, $0x2;
	(pc) =	sbr.rel @!p2 .LBB2_6-.Ltmp1, $4  }
0x26: {  	s14 =	simm.s32 @!p1 $0x3  }
0x27: {  	s16 =	sadd.s32 $0x1, s12;
	_ =	swait.ge @!p1 [sflag:s14], $0x80  }
0x28: {  	s13 =	smov.u32 s11;
	p0 =	por !p0, !p0;
	[sflag:s14] =	ssyncset.done @!p1 $0x0  }
0x29: {  	s12 =	smov.u32 s16;
	s11 =	smov.u32 s15;
	[sflag:s14] =	ssyncadd.s32 @!p1 $0xFFFFFF80  }
.LBB2_1:
0x2a: {  	p1 =	sge.u32 s12, s8  }
0x2b: {  	s14 =	sxor.u32 @!p1 $0xFFFFFFFF, s12  }
0x2c: {  	s31 =	sadd.s32 $0xFFFFFFFF, s12;
	s15 =	sshrl.u32 @!p1 s11, $0x3;
	s14 =	sshll.u32 @!p1 s14, $0x7  }
0x2d: {  	s16 =	sand.u32 @!p1 $0x7, s11;
	s15 =	sadd.s32 @!p1 s4, s15;
	s14 =	sand.u32 @!p1 $0x80, s14  }
0x2e: {  	[tilespmem:s14], [sflag:$0x2] =	stream.linear.gather @!p1 [hbm4b:s15+s16], $0x80, $0x38;
	[tilespmem:$0x200] =	vst v63  }
0x2f: {  	p1 =	sge.u32 s31, s8  }
.Ltmp2:
0x30: {  	_ = 	snop;
	(pc) =	sbr.rel @p1 .LBB2_5-.Ltmp2, $1  }
0x31: {  	_ =	sdelay $0x3  }
0x32: {  	s14 =	simm.s32 $0x1  }
0x33: {  	_ =	swait.ge [sflag:s7], $0x80;
	s14 =	simm.s32 @!p0 $0x0  }
0x34: {  	[sflag:s7] =	ssyncset.done $0x0;
	s14 =	sshll.u32 s14, $0x7  }
0x35: {  	[sflag:s7] =	ssyncadd.s32 $0xFFFFFF80;
	(ifvalue) =	ssetifvalue $0x7FFFFFFF;
	v0 =	vld.msk [tilespmem:s14+$0x0 ss:$0x1], $0xffff;
	_ =	sdelay $0x4  }
0x36: {  	s15 =	sadd.s32 $0x10, s14;
	v2 =	vshrl.u32 v0, $0x1  }
0x37: {  	v1 =	vld.msk [tilespmem:s15+$0x0 ss:$0x1], $0xffff;
	vm1 =	veq.s32 v0, $0x80000000;
	v2 =	vand.u32 $0xFFF, v2  }
0x38: {  	v0 =	vand.u32 $0x1, v0;
	v2 =	vsel vm1, $0xFFFFFFFF, v2  }
0x39: {  	v0 =	vsel vm1, $0xFFFFFFFF, v0;
	v3 =	vshll.u32 v2, $0x1  }
0x3a: {  	v4 =	vand.u32 $0xFFFFE000, v0;
	v0 =	vshll.u32 v0, $0x7;
	v3 =	vand.u32 $0xFFFFFF00, v3  }
0x3b: {  	v0 =	vand.u32 $0x80, v0;
	v3 =	vadd.s32 v4, v3  }
0x3c: {  	v2 =	vand.u32 $0x7F, v2;
	v4 =	vshrl.u32 v1, $0x1;
	v0 =	vor.u32 v0, v3  }
0x3d: {  	vm1 =	veq.s32 v1, $0x80000000;
	v4 =	vand.u32 $0xFFF, v4;
	v0 =	vor.u32 v2, v0  }
0x3e: {  	s16 =	sshll.u32 s12, $0x7;
	s15 =	sadd.s32 $0x10, s15;
	v1 =	vand.u32 $0x1, v1;
	v3 =	vsel vm1, $0xFFFFFFFF, v4  }
0x3f: {  	s17 =	sand.u32 $0x80, s16;
	v2 =	vsel vm1, $0xFFFFFFFF, v1;
	v1 =	vld.msk [tilespmem:s15+$0x0 ss:$0x1], $0xffff;
	v4 =	vshll.u32 v3, $0x1  }
0x40: {  	s16 =	sor.u32 $0x100, s14;
	s14 =	sor.u32 $0x100, s17;
	s17 =	simm.s32 $0x30;
	v5 =	vshll.u32 v2, $0x7;
	v6 =	vand.u32 $0xFFFFE000, v2;
	v4 =	vand.u32 $0xFFFFFF00, v4  }
0x41: {  	s18 =	sadd.s32 $0x10, s15;
	(ifvalue) =	ssetifvalue $0x7FFFFFFF;
	s15 =	sadd.s32 $0x10, s16;
	v2 =	vand.u32 $0x7F, v3;
	v3 =	vadd.s32 v6, v4;
	v4 =	vand.u32 $0x80, v5  }
.LBB2_3:
0x42: {  	[tilespmem:s16], [sflag:$0x1] =	stream.indirect_vreg.gather [hbm4b:s3+s10], $0x1, v0, vm0, $0x4038;
	[tilespmem:$0x200] =	vst v63  }
0x43: {  	s17 =	sadd.s32 $0x10, s17  }
0x44: {  	v5 =	vand.u32 $0x1, v1;
	v6 =	vshrl.u32 v1, $0x1;
	v3 =	vor.u32 v4, v3;
	v0 =	vmovc v1;
	v1 =	vld.msk [tilespmem:s18+$0x0 ss:$0x1], $0xffff;
	p1 =	slt.u32 s17, $0x70  }
.Ltmp3:
0x45: {  	s16 =	smov.u32 s15;
	vm1 =	veq.s32 v0, $0x80000000;
	v4 =	vand.u32 $0xFFF, v6;
	v0 =	vor.u32 v2, v3;
	(pc) =	sbr.rel @p1 .LBB2_3-.Ltmp3, $4  }
0x46: {  	v3 =	vsel vm1, $0xFFFFFFFF, v5;
	v4 =	vsel vm1, $0xFFFFFFFF, v4  }
0x47: {  	v2 =	vand.u32 $0x7F, v4;
	v4 =	vshll.u32 v4, $0x1;
	v5 =	vshll.u32 v3, $0x7  }
0x48: {  	v3 =	vand.u32 $0xFFFFE000, v3;
	v4 =	vand.u32 $0xFFFFFF00, v4  }
0x49: {  	s18 =	sadd.s32 $0x10, s18;
	s15 =	sadd.s32 $0x10, s15;
	v3 =	vadd.s32 v3, v4;
	v4 =	vand.u32 $0x80, v5;
	(ifvalue) =	ssetifvalue $0x7FFFFFFF  }
.Ltmp4:
0x4a: {  	_ = 	snop;
	(pc) =	sbr.rel .LBB2_4-.Ltmp4, $1  }
0x4b: {  	_ =	sdelay $0x3  }
.LBB2_6:
0x4c: {  	_ =	sfence.sel $0x180000  }
0x4d: {  	s2 =	simm.s32 $0x2;
	[bflag:$0x0] =	sbarrier.arrive $0xFFFF  }
0x4e: {  	s30 =	simm.s32 $0x3;
	[sflag:s2] =	ssyncpa.u1 $0x1  }
0x4f: {  	s31 =	simm.s32 $0x1;
	[sflag:s30] =	ssyncpa.u1 $0x1  }
0x50: {  	[sflag:s31] =	ssyncpa.u1 $0x1  }
0x51: {  	p0 =	sne.s32 s1, $0x0;
	_ =	strace $0x90000047  }
0x52: {  	s0 =	sadd.s32 @!p0 $0x100000, s0;
	[bflag:$0x2] =	sbarrier.arrive $0xFFFF  }
0x53: {  	[sflag:s0] =	ssyncadd.tile.s32 @!p0 $0x1;
	_ =	shalt  }
.Lfunc_end2:
_tile_overlayer_lowered:
.L_overlay_start_2:
0x54: {  	(tag) =	ssettag $0x2  }
0x55: {  	s0 =	rddreg [dreg:$0x0];
	s2 =	stileid.u32  }
0x56: {  	s1 =	rddreg [dreg:$0x1];
	p0 =	sne.s32 s2, $0x0  }
0x57: {  	s3 =	rddreg [dreg:$0x2];
	[bflag:$0x3] =	sbarrier.arrive $0xFFFF;
	s2 =	simm.s32 @!p0 $0x1C01  }
0x58: {  	[timem:s3], [sflag:s2] =	dma.local @!p0 [hbm:s0], s1  }
0x59: {  	s0 =	simm.s32 @!p0 $0x1  }
0x5a: {  	_ =	swait.ge @!p0 [sflag:s0], s1  }
0x5b: {  	s1 =	ssub.s32 @!p0 $0x0, s1;
	[sflag:s0] =	ssyncset.done @!p0 $0x0  }
0x5c: {  	[sflag:s0] =	ssyncadd.s32 @!p0 s1  }
0x5d: {  	[bflag:$0x3] =	sbarrier.arrive $0xFFFF  }
0x5e: {  	_ =	shalt  }

// kernel: gather_offload_async_start.3
scs
__scs_entry_jumppad:
0x0: {  	(pc) =	sbr.rel $0x88, $3  }
0x1: {  	(tag) =	ssettag $0x0;
	lr =	simm.s32 $0x1  }
0x2: {  	[smem:$0x3F9F] =	sst lr;
	_ =	strace $0xD0000000  }
0x3: {  	_ = 	snop  }
0x4: {  	_ = 	snop  }
0x5: {  	_ = 	snop  }
0x6: {  	_ = 	snop  }
0x7: {  	_ = 	snop  }
__scs_overlays_trampoline_lowered:
0x8: {  	[smem:$0x3FAE] =	sst s0  }
0x9: {  	[smem:$0x3FAF] =	sst s1  }
0xa: {  	[smem:$0x3FB0] =	sst s2  }
0xb: {  	[smem:$0x3FB1] =	sst s3  }
0xc: {  	[smem:$0x3FB2] =	sst s4  }
0xd: {  	[smem:$0x3FB3] =	sst s5  }
0xe: {  	[smem:$0x3FB4] =	sst s6  }
0xf: {  	[smem:$0x3FB5] =	sst s7  }
0x10: {  	[smem:$0x3FB6] =	sst s8  }
0x11: {  	[smem:$0x3FB7] =	sst s9;
	s0 =	simm.s32 @!p0 $0x0  }
0x12: {  	s1 =	sld [smem:$0x3F9D];
	s0 =	simm.s32 @p0 $0x1  }
0x13: {  	[smem:$0x3FB8] =	sst s0;
	s0 =	simm.s32 @!p1 $0x0  }
0x14: {  	s2 =	sld [smem:$0x3F9C];
	s0 =	simm.s32 @p1 $0x1  }
0x15: {  	[smem:$0x3FB9] =	sst s0;
	s0 =	simm.s32 @!p2 $0x0  }
0x16: {  	s3 =	sld [smem:$0x3FDB];
	s0 =	simm.s32 @p2 $0x1  }
0x17: {  	s4 =	simm.s32 $0x1BF5;
	[smem:$0x3FBB] =	sst s0  }
0x18: {  	s0 =	sld [smem:$0x3F9E];
	_ =	swait.ge [sflag:s4], $0x0  }
0x19: {  	s7 =	sld [smem:$0x3F9F]  }
0x1a: {  	s8 =	sadd.s32 $0xFFFFE003, lr  }
0x1b: {  	s9 =	sadd.s32 $0xFFFFFEF7, lr;
	s5 =	simm.s32 $0xFFFFFFFF;
	p2 =	slt.u32 s8, $0xFFFFF086  }
0x1c: {  	p1 =	slt.u32 s9, $0xF7A;
	s5 =	simm.s32 @!p2 $0x0  }
0x1d: {  	s5 =	simm.s32 @p1 $0x1;
	p0 =	seq.s32 s7, s2  }
0x1e: {  	s7 =	smul.u32 @!p0 $0xF7A, s2;
	p2 =	seq.s32 @!p0 s5, $0x0  }
0x1f: {  	s9 =	smul.u32 $0xF7A, s1;
	s8 =	simm.s32 @!p0 $0x1BF5;
	p2 =	por !p2, p0  }
0x20: {  	[sflag:s8] =	ssyncset.s32 @!p0 $0xFFFFF086;
	s6 =	sadd.s32 @!p0 s3, s7;
	s7 =	simm.s32 @!p0 $0x108  }
0x21: {  	s3 =	sadd.s32 s3, s9;
	s6 =	sadd.s32 @!p0 $0x88, s6;
	s7 =	simm.s32 @p2 $0x1082  }
0x22: {  	[simem:s7], [sflag:s8] =	dma.local @!p0 [hbm:s6], $0xF7A  }
0x23: {  	s9 =	sor.u32 $0xD0000000, s2;
	s6 =	simm.s32 $0x108;
	_ =	swait.ge @!p0 [sflag:s8], $0x0  }
0x24: {  	s3 =	sadd.s32 $0x88, s3;
	s6 =	simm.s32 @!p1 $0x1082;
	[sflag:s4] =	ssyncset.s32 $0xFFFFF086  }
0x25: {  	[simem:s6], [sflag:s4] =	dma.local [hbm:s3], $0xF7A  }
0x26: {  	[smem:$0x3F9F] =	sst s1;
	(tag) =	ssettag s2;
	_ =	strace s9  }
0x27: {  	s1 =	sld [smem:$0x3FAF]  }
0x28: {  	s2 =	sld [smem:$0x3FB0]  }
0x29: {  	s4 =	sld [smem:$0x3FB2]  }
0x2a: {  	p0 =	seq.s32 s5, $0x0;
	s5 =	sld [smem:$0x3FB3]  }
0x2b: {  	s6 =	sld [smem:$0x3FB4]  }
0x2c: {  	s7 =	sld [smem:$0x3FB5]  }
0x2d: {  	s3 =	simm.s32 $0x108;
	s8 =	sld [smem:$0x3FB6]  }
0x2e: {  	s3 =	simm.s32 @!p0 $0x1082;
	s9 =	sld [smem:$0x3FB7]  }
0x2f: {  	lr =	sadd.s32 s0, s3;
	s0 =	sld [smem:$0x3FAE]  }
0x30: {  	s3 =	sld [smem:$0x3FB1]  }
0x31: {  	[smem:$0x3FBA] =	sst s10  }
0x32: {  	s10 =	sld [smem:$0x3FB8];
	_ =	sdelay $0x3  }
0x33: {  	p0 =	seq.s32 s10, $0x1;
	s10 =	sld [smem:$0x3FBA];
	_ =	sdelay $0x3  }
0x34: {  	[smem:$0x3FBA] =	sst s10  }
0x35: {  	s10 =	sld [smem:$0x3FB9];
	_ =	sdelay $0x3  }
0x36: {  	p1 =	seq.s32 s10, $0x1;
	s10 =	sld [smem:$0x3FBA];
	_ =	sdelay $0x3  }
0x37: {  	[smem:$0x3FBA] =	sst s10  }
0x38: {  	s10 =	sld [smem:$0x3FBB]  }
0x39: {  	_ = 	snop;
	(pc) =	sbr.ind lr, $3  }
0x3a: {  	_ = 	snop  }
0x3b: {  	_ = 	snop  }
0x3c: {  	p2 =	seq.s32 s10, $0x1;
	s10 =	sld [smem:$0x3FBA]  }
0x3d: {  	_ =	shalt  }
0x3e: {  	_ =	shalt  }
0x3f: {  	_ =	shalt  }
0x40: {  	_ =	shalt  }
0x41: {  	_ =	shalt  }
0x42: {  	_ =	shalt  }
0x43: {  	_ =	shalt  }
0x44: {  	_ =	shalt  }
0x45: {  	_ =	shalt  }
0x46: {  	_ =	shalt  }
0x47: {  	_ =	shalt  }
0x48: {  	_ =	shalt  }
0x49: {  	_ =	shalt  }
0x4a: {  	_ =	shalt  }
0x4b: {  	_ =	shalt  }
0x4c: {  	_ =	shalt  }
0x4d: {  	_ =	shalt  }
0x4e: {  	_ =	shalt  }
0x4f: {  	_ =	shalt  }
0x50: {  	_ =	shalt  }
0x51: {  	_ =	shalt  }
0x52: {  	_ =	shalt  }
0x53: {  	_ =	shalt  }
0x54: {  	_ =	shalt  }
0x55: {  	_ =	shalt  }
0x56: {  	_ =	shalt  }
0x57: {  	_ =	shalt  }
0x58: {  	_ =	shalt  }
0x59: {  	_ =	shalt  }
0x5a: {  	_ =	shalt  }
0x5b: {  	_ =	shalt  }
0x5c: {  	_ =	shalt  }
0x5d: {  	_ =	shalt  }
0x5e: {  	_ =	shalt  }
0x5f: {  	_ =	shalt  }
0x60: {  	_ =	shalt  }
0x61: {  	_ =	shalt  }
0x62: {  	_ =	shalt  }
0x63: {  	_ =	shalt  }
0x64: {  	_ =	shalt  }
0x65: {  	_ =	shalt  }
0x66: {  	_ =	shalt  }
0x67: {  	_ =	shalt  }
0x68: {  	_ =	shalt  }
0x69: {  	_ =	shalt  }
0x6a: {  	_ =	shalt  }
0x6b: {  	_ =	shalt  }
0x6c: {  	_ =	shalt  }
0x6d: {  	_ =	shalt  }
0x6e: {  	_ =	shalt  }
0x6f: {  	_ =	shalt  }
0x70: {  	_ =	shalt  }
0x71: {  	_ =	shalt  }
0x72: {  	_ =	shalt  }
0x73: {  	_ =	shalt  }
0x74: {  	_ =	shalt  }
0x75: {  	_ =	shalt  }
0x76: {  	_ =	shalt  }
0x77: {  	_ =	shalt  }
0x78: {  	_ =	shalt  }
0x79: {  	_ =	shalt  }
0x7a: {  	_ =	shalt  }
0x7b: {  	_ =	shalt  }
0x7c: {  	_ =	shalt  }
0x7d: {  	_ =	shalt  }
0x7e: {  	_ =	shalt  }
0x7f: {  	_ =	shalt  }
0x80: {  	_ =	shalt  }
0x81: {  	_ =	shalt  }
0x82: {  	_ =	shalt  }
0x83: {  	_ =	shalt  }
0x84: {  	_ =	shalt  }
0x85: {  	_ =	shalt  }
0x86: {  	_ =	shalt  }
0x87: {  	_ =	shalt  }
.Lfunc_end0:
.L_simem_size_0:
called_computation.3_lowered:
.L_overlay_start_0:
0x88: {  	s2 =	sld [smem:$0x3FD9]  }
0x89: {  	s3 =	sld [smem:$0x3FFE];
	_ =	sdelay $0x1  }
0x8a: {  	s1 =	srdreg.scid  }
0x8b: {  	s0 =	sand.u32 $0x1, s1  }
0x8c: {  	s17 =	sshll.u32 s0, $0xA;
	s2 =	sadd.s32 s3, s2  }
0x8d: {  	s2 =	sadd.s32 s2, s17  }
0x8e: {  	[smem:$0x3FC6] =	sst s2  }
0x8f: {  	_ = 	snop  }
0x90: {  	(tm) =	ssettm $0x1  }
0x91: {  	s18 =	sld [smem:$0x3FFB];
	_ =	sdelay $0x3  }
0x92: {  	_ =	strace s18  }
0x93: {  	s2 =	sld [smem:$0x3FFC];
	_ =	sdelay $0x3  }
0x94: {  	_ =	strace s2  }
0x95: {  	s2 =	sld [smem:$0x3FFD];
	_ =	sdelay $0x3  }
0x96: {  	_ =	strace s2  }
0x97: {  	_ =	strace $0x8FFFFFFF  }
0x98: {  	s19 =	sld [smem:$0x3FDB];
	_ =	sdelay $0x1  }
0x99: {  	s20 =	simm.s32 $_scs_section_size  }
0x9a: {  	s4 =	simm.s32 $_size__tile_overlayer_lowered;
	s5 =	simm.s32 $_tile_overlayer_lowered  }
0x9b: {  	s6 =	simm.s32 $0x1BFF;
	s21 =	sshll.u32 s5, $0x1;
	s3 =	sadd.s32 s20, s19  }
0x9c: {  	s22 =	simm.s32 $0x0;
	s4 =	sshll.u32 s4, $0x1;
	s5 =	sadd.s32 s21, s3  }
0x9d: {  	[timem:s22], [sflag:s6] =	dma.local [hbm:s5], s4  }
0x9e: {  	_ =	swait.ge [sflag:s6], s4  }
0x9f: {  	s4 =	ssub.s32 $0x0, s4;
	[sflag:s6] =	ssyncset.done $0x0  }
0xa0: {  	[sflag:s6] =	ssyncadd.s32 s4;
	_ =	sdelay $0x1  }
0xa1: {  	s23 =	simm.s32 $0x1B8B  }
0xa2: {  	_ =	swait.ge [sflag:s23], $0x1  }
0xa3: {  	[sflag:s23] =	ssyncset.done $0x0  }
0xa4: {  	[sflag:s23] =	ssyncadd.s32 $0xFFFFFFFF  }
0xa5: {  	s4 =	sld [smem:$0x0]  }
0xa6: {  	s5 =	sand.u32 $0xFFFFFFFE, s1  }
0xa7: {  	p0 =	sne.s32 s1, s5  }
0xa8: {  	s5 =	sshll.u32 @p0 s5, $0xE  }
0xa9: {  	s5 =	sadd.s32 @p0 $0x11B8D, s5;
	s6 =	sshll.u32 @p0 s4, $0x11  }
0xaa: {  	s5 =	sor.u32 @p0 s6, s5  }
0xab: {  	[sflag:s5] =	ssyncadd.remote.s32 @p0 $0x1;
	_ =	sdelay $0x1  }
0xac: {  	s5 =	simm.s32 @p0 $0x1B8D  }
0xad: {  	_ =	swait.eq @p0 [sflag:s5], $0x1  }
0xae: {  	[sflag:s5] =	ssyncadd.s32 @p0 $0xFFFFFFFF  }
0xaf: {  	s6 =	sshll.u32 @!p0 s1, $0xE  }
0xb0: {  	s6 =	sor.u32 @!p0 $0x4000, s6;
	s5 =	simm.s32 @!p0 $0x1B8D  }
0xb1: {  	s4 =	sshll.u32 @!p0 s4, $0x11;
	s6 =	sadd.s32 @!p0 $0x11B8D, s6;
	_ =	swait.eq @!p0 [sflag:s5], $0x1  }
0xb2: {  	s4 =	sor.u32 @!p0 s4, s6;
	[sflag:s5] =	ssyncadd.s32 @!p0 $0xFFFFFFFF  }
0xb3: {  	s25 =	simm.s32 $0x1B8E;
	s24 =	sld [smem:$0x3FFE];
	[sflag:s4] =	ssyncadd.remote.s32 @!p0 $0x1  }
0xb4: {  	s26 =	simm.s32 $execute0_lowered;
	[smem:$0x3FD2] =	sst s25  }
0xb5: {  	s5 =	sshll.u32 s26, $0x1;
	_ =	strace $0x80000052;
	[dreg:$0x1] =	wrdreg $0xFFFFFFFF  }
0xb6: {  	s28 =	simm.s32 $_size_execute0_lowered;
	s3 =	sadd.s32 s3, s5;
	[dreg:$0x0] =	wrdreg $0x0  }
0xb7: {  	s5 =	sshll.u32 s28, $0x1;
	[dreg:$0x2] =	wrdreg s3  }
0xb8: {  	[dreg:$0x3] =	wrdreg s5  }
0xb9: {  	[dreg:$0x4] =	wrdreg $0xC0  }
0xba: {  	_ =	task [dreg:s22], $0x5FFFF  }
0xbb: {  	[dreg:$0x1] =	wrdreg $0xFFFFFFFF  }
0xbc: {  	[dreg:$0x0] =	wrdreg $0x60  }
0xbd: {  	[dreg:$0x2] =	wrdreg s24  }
0xbe: {  	[dreg:$0x3] =	wrdreg $0xA  }
0xbf: {  	_ =	task.clear_ibuf [dreg:s22], $0x4FFFF;
	_ =	strace $0x90000052  }
0xc0: {  	s29 =	simm.s32 $0xA;
	_ =	strace $0x80000054  }
0xc1: {  	_ =	swait.ge [sflag:s29], $0x1  }
0xc2: {  	[sflag:s29] =	ssyncadd.s32 $0xFFFFFFFF  }
0xc3: {  	_ =	strace $0x90000054  }
0xc4: {  	_ =	sfence  }
0xc5: {  	s30 =	sld [smem:$0x0];
	_ =	sdelay $0x2  }
0xc6: {  	s31 =	sshll.u32 s1, $0xD;
	s1 =	sshrl.u32 s1, $0x2  }
0xc7: {  	s4 =	sand.u32 $0x4000, s31;
	s1 =	sadd.s32 s1, s30  }
0xc8: {  	s0 =	sor.u32 s4, s0;
	s1 =	sshll.u32 s1, $0x11  }
0xc9: {  	s0 =	sor.u32 s1, s0  }
0xca: {  	s0 =	sadd.s32 $0x8F2B, s0  }
0xcb: {  	[sflag:s0] =	ssyncadd.remote.s32 $0x1  }
0xcc: {  	_ =	sfence.sel $0xFFFF  }
0xcd: {  	[dreg:$0x0] =	wrdreg $0xFFFFFFFF;
	(pc) =	sbr.abs _section_cstart, $3  }
0xce: {  	[dreg:$0x1] =	wrdreg $0xFFFFFFFF  }
0xcf: {  	_ =	task.clear_ibuf [dreg:s22], $0x2FFFF;
	_ =	strace $0x9FFFFFFF  }
0xd0: {  	(tm) =	ssettm $0x7FFFFFFF  }
0xd1: {  	_ =	shalt  }
tec
execute0_lowered:
.L_overlay_start_1:
0x0: {  	(tag) =	ssettag $0x1  }
0x1: {  	s0 =	srdreg.scid;
	s5 =	rddreg [dreg:$0x0]  }
0x2: {  	s1 =	stileid.u32;
	s6 =	simm.s32 $0x1;
	s9 =	simm.s32 $0x1  }
0x3: {  	s10 =	simm.s32 $0x3;
	s13 =	simm.s32 $0x0;
	s2 =	sshll.u32 s0, $0x7  }
0x4: {  	s12 =	simm.s32 $0x0;
	s3 =	sshll.u32 s1, $0x8;
	s2 =	sand.u32 $0x80, s2  }
0x5: {  	s0 =	rddreg [dreg:$0x1];
	_ =	strace $0x80000053;
	s2 =	sor.u32 s3, s2  }
0x6: {  	s4 =	sadd.s32 $0x1200, s5;
	[sflag:s6] =	ssyncpa.u1 $0x0;
	s8 =	ssub.s32 $0x2000, s2  }
.Ltmp0:
0x7: {  	s3 =	sadd.s32 $0x600, s5;
	s7 =	sand.u32 $0xF80, s8;
	(pc) =	sbr.rel .LBB2_1-.Ltmp0, $4  }
0x8: {  	s5 =	sadd.s32 $0xA00, s5;
	s11 =	smov.u32 s2;
	p0 =	sne.s32 s7, $0x0  }
0x9: {  	s8 =	sshrl.u32 s8, $0xC;
	s7 =	simm.s32 $0x2;
	s9 =	simm.s32 @!p0 $0x0  }
0xa: {  	[sflag:s7] =	ssyncpa.u1 $0x0;
	p0 =	por $0x0, $0x0;
	s8 =	sadd.s32 s9, s8  }
0xb: {  	vm0 =	vmmov $0xffff;
	[sflag:s10] =	ssyncpa.u1 $0x0;
	s10 =	simm.s32 $0x0;
	s9 =	sadd.s32 $0x1, s8  }
.LBB2_4:
0xc: {  	v5 =	vld.msk [tilespmem:s18+$0x0 ss:$0x1], $0xffff  }
0xd: {  	v6 =	vand.u32 $0x1, v1;
	v7 =	vshrl.u32 v1, $0x1  }
0xe: {  	v3 =	vor.u32 v4, v3;
	vm1 =	veq.s32 v1, $0x80000000;
	v53 =	vand.u32 $0xFFF, v7  }
0xf: {  	v2 =	vor.u32 v2, v3;
	v54 =	vsel vm1, $0xFFFFFFFF, v6;
	v1 =	vsel vm1, $0xFFFFFFFF, v53  }
0x10: {  	v6 =	vshll.u32 v54, $0x7;
	v3 =	vand.u32 $0xFFFFE000, v54;
	v55 =	vand.u32 $0x7F, v1  }
0x11: {  	v1 =	vshll.u32 v1, $0x1;
	v6 =	vand.u32 $0x80, v6;
	v56 =	vshrl.u32 v5, $0x1  }
0x12: {  	v1 =	vand.u32 $0xFFFFFF00, v1;
	vm1 =	veq.s32 v5, $0x80000000;
	v57 =	vand.u32 $0xFFF, v56  }
0x13: {  	v1 =	vadd.s32 v3, v1;
	v5 =	vand.u32 $0x1, v5;
	v3 =	vsel vm1, $0xFFFFFFFF, v57  }
0x14: {  	v1 =	vor.u32 v6, v1;
	v5 =	vsel vm1, $0xFFFFFFFF, v5;
	v58 =	vshll.u32 v3, $0x1  }
0x15: {  	v59 =	vshll.u32 v5, $0x7;
	v5 =	vand.u32 $0xFFFFE000, v5;
	v6 =	vand.u32 $0xFFFFFF00, v58  }
0x16: {  	v1 =	vor.u32 v55, v1;
	v61 =	vand.u32 $0x80, v59;
	v60 =	vadd.s32 v5, v6  }
0x17: {  	[tilespmem:s16], [sflag:$0x1] =	stream.indirect_vreg.gather [hbm4b:s3+s10], $0x1, v0, vm0, $0x4038;
	v62 =	vand.u32 $0x7F, v3;
	v63 =	vor.u32 v61, v60;
	[tilespmem:$0x200] =	vst v63  }
0x18: {  	(ifvalue) =	ssetifvalue $0x7FFFFFFF;
	v0 =	vor.u32 v62, v63  }
0x19: {  	[tilespmem:s15], [sflag:$0x1] =	stream.indirect_vreg.gather [hbm4b:s3+s10], $0x1, v2, vm0, $0x4038;
	[tilespmem:$0x200] =	vst v63  }
0x1a: {  	s29 =	sadd.s32 $0x10, s15;
	(ifvalue) =	ssetifvalue $0x7FFFFFFF  }
0x1b: {  	[tilespmem:s29], [sflag:$0x1] =	stream.indirect_vreg.gather [hbm4b:s3+s10], $0x1, v1, vm0, $0x4038;
	[tilespmem:$0x200] =	vst v63  }
0x1c: {  	s15 =	sadd.s32 $0x10, s29;
	(ifvalue) =	ssetifvalue $0x7FFFFFFF  }
0x1d: {  	[tilespmem:s15], [sflag:$0x1] =	stream.indirect_vreg.gather [hbm4b:s3+s10], $0x1, v0, vm0, $0x4038;
	[tilespmem:$0x200] =	vst v63  }
0x1e: {  	_ =	swait.ge [sflag:s6], $0x80  }
0x1f: {  	s30 =	sshrl.u32 s13, $0x3;
	[sflag:s6] =	ssyncset.done $0x0  }
0x20: {  	s31 =	sand.u32 $0x7, s13;
	s15 =	sadd.s32 s5, s30;
	[sflag:s6] =	ssyncadd.s32 $0xFFFFFF80  }
0x21: {  	[hbm4b:s15+s31] =	stream.linear.scatter [tilespmem:s14], [sflag:$0x3], $0x80, $0x38;
	[tilespmem:$0x200] =	vst v63  }
.LBB2_5:
0x22: {  	s15 =	sadd.s32 $0x1000, s11  }
0x23: {  	p2 =	sgt.s32 s15, $0x1FFF  }
0x24: {  	s15 =	smov.u32 @p2 s2;
	p2 =	sne.s32 s12, s9  }
.Ltmp1:
0x25: {  	p1 =	slt.u32 s12, $0x2;
	(pc) =	sbr.rel @!p2 .LBB2_6-.Ltmp1, $4  }
0x26: {  	s14 =	simm.s32 @!p1 $0x3  }
0x27: {  	s16 =	sadd.s32 $0x1, s12;
	_ =	swait.ge @!p1 [sflag:s14], $0x80  }
0x28: {  	s13 =	smov.u32 s11;
	p0 =	por !p0, !p0;
	[sflag:s14] =	ssyncset.done @!p1 $0x0  }
0x29: {  	s12 =	smov.u32 s16;
	s11 =	smov.u32 s15;
	[sflag:s14] =	ssyncadd.s32 @!p1 $0xFFFFFF80  }
.LBB2_1:
0x2a: {  	p1 =	sge.u32 s12, s8  }
0x2b: {  	s14 =	sxor.u32 @!p1 $0xFFFFFFFF, s12  }
0x2c: {  	s31 =	sadd.s32 $0xFFFFFFFF, s12;
	s15 =	sshrl.u32 @!p1 s11, $0x3;
	s14 =	sshll.u32 @!p1 s14, $0x7  }
0x2d: {  	s16 =	sand.u32 @!p1 $0x7, s11;
	s15 =	sadd.s32 @!p1 s4, s15;
	s14 =	sand.u32 @!p1 $0x80, s14  }
0x2e: {  	[tilespmem:s14], [sflag:$0x2] =	stream.linear.gather @!p1 [hbm4b:s15+s16], $0x80, $0x38;
	[tilespmem:$0x200] =	vst v63  }
0x2f: {  	p1 =	sge.u32 s31, s8  }
.Ltmp2:
0x30: {  	_ = 	snop;
	(pc) =	sbr.rel @p1 .LBB2_5-.Ltmp2, $1  }
0x31: {  	_ =	sdelay $0x3  }
0x32: {  	s14 =	simm.s32 $0x1  }
0x33: {  	_ =	swait.ge [sflag:s7], $0x80;
	s14 =	simm.s32 @!p0 $0x0  }
0x34: {  	[sflag:s7] =	ssyncset.done $0x0;
	s14 =	sshll.u32 s14, $0x7  }
0x35: {  	[sflag:s7] =	ssyncadd.s32 $0xFFFFFF80;
	(ifvalue) =	ssetifvalue $0x7FFFFFFF;
	v0 =	vld.msk [tilespmem:s14+$0x0 ss:$0x1], $0xffff;
	_ =	sdelay $0x4  }
0x36: {  	s15 =	sadd.s32 $0x10, s14;
	v2 =	vshrl.u32 v0, $0x1  }
0x37: {  	v1 =	vld.msk [tilespmem:s15+$0x0 ss:$0x1], $0xffff;
	vm1 =	veq.s32 v0, $0x80000000;
	v2 =	vand.u32 $0xFFF, v2  }
0x38: {  	v0 =	vand.u32 $0x1, v0;
	v2 =	vsel vm1, $0xFFFFFFFF, v2  }
0x39: {  	v0 =	vsel vm1, $0xFFFFFFFF, v0;
	v3 =	vshll.u32 v2, $0x1  }
0x3a: {  	v4 =	vand.u32 $0xFFFFE000, v0;
	v0 =	vshll.u32 v0, $0x7;
	v3 =	vand.u32 $0xFFFFFF00, v3  }
0x3b: {  	v0 =	vand.u32 $0x80, v0;
	v3 =	vadd.s32 v4, v3  }
0x3c: {  	v2 =	vand.u32 $0x7F, v2;
	v4 =	vshrl.u32 v1, $0x1;
	v0 =	vor.u32 v0, v3  }
0x3d: {  	vm1 =	veq.s32 v1, $0x80000000;
	v4 =	vand.u32 $0xFFF, v4;
	v0 =	vor.u32 v2, v0  }
0x3e: {  	s16 =	sshll.u32 s12, $0x7;
	s15 =	sadd.s32 $0x10, s15;
	v1 =	vand.u32 $0x1, v1;
	v3 =	vsel vm1, $0xFFFFFFFF, v4  }
0x3f: {  	s17 =	sand.u32 $0x80, s16;
	v2 =	vsel vm1, $0xFFFFFFFF, v1;
	v1 =	vld.msk [tilespmem:s15+$0x0 ss:$0x1], $0xffff;
	v4 =	vshll.u32 v3, $0x1  }
0x40: {  	s16 =	sor.u32 $0x100, s14;
	s14 =	sor.u32 $0x100, s17;
	s17 =	simm.s32 $0x30;
	v5 =	vshll.u32 v2, $0x7;
	v6 =	vand.u32 $0xFFFFE000, v2;
	v4 =	vand.u32 $0xFFFFFF00, v4  }
0x41: {  	s18 =	sadd.s32 $0x10, s15;
	(ifvalue) =	ssetifvalue $0x7FFFFFFF;
	s15 =	sadd.s32 $0x10, s16;
	v2 =	vand.u32 $0x7F, v3;
	v3 =	vadd.s32 v6, v4;
	v4 =	vand.u32 $0x80, v5  }
.LBB2_3:
0x42: {  	[tilespmem:s16], [sflag:$0x1] =	stream.indirect_vreg.gather [hbm4b:s3+s10], $0x1, v0, vm0, $0x4038;
	[tilespmem:$0x200] =	vst v63  }
0x43: {  	s17 =	sadd.s32 $0x10, s17  }
0x44: {  	v5 =	vand.u32 $0x1, v1;
	v6 =	vshrl.u32 v1, $0x1;
	v3 =	vor.u32 v4, v3;
	v0 =	vmovc v1;
	v1 =	vld.msk [tilespmem:s18+$0x0 ss:$0x1], $0xffff;
	p1 =	slt.u32 s17, $0x70  }
.Ltmp3:
0x45: {  	s16 =	smov.u32 s15;
	vm1 =	veq.s32 v0, $0x80000000;
	v4 =	vand.u32 $0xFFF, v6;
	v0 =	vor.u32 v2, v3;
	(pc) =	sbr.rel @p1 .LBB2_3-.Ltmp3, $4  }
0x46: {  	v3 =	vsel vm1, $0xFFFFFFFF, v5;
	v4 =	vsel vm1, $0xFFFFFFFF, v4  }
0x47: {  	v2 =	vand.u32 $0x7F, v4;
	v4 =	vshll.u32 v4, $0x1;
	v5 =	vshll.u32 v3, $0x7  }
0x48: {  	v3 =	vand.u32 $0xFFFFE000, v3;
	v4 =	vand.u32 $0xFFFFFF00, v4  }
0x49: {  	s18 =	sadd.s32 $0x10, s18;
	s15 =	sadd.s32 $0x10, s15;
	v3 =	vadd.s32 v3, v4;
	v4 =	vand.u32 $0x80, v5;
	(ifvalue) =	ssetifvalue $0x7FFFFFFF  }
.Ltmp4:
0x4a: {  	_ = 	snop;
	(pc) =	sbr.rel .LBB2_4-.Ltmp4, $1  }
0x4b: {  	_ =	sdelay $0x3  }
.LBB2_6:
0x4c: {  	_ =	sfence.sel $0x180000  }
0x4d: {  	s2 =	simm.s32 $0x2;
	[bflag:$0x0] =	sbarrier.arrive $0xFFFF  }
0x4e: {  	s30 =	simm.s32 $0x3;
	[sflag:s2] =	ssyncpa.u1 $0x1  }
0x4f: {  	s31 =	simm.s32 $0x1;
	[sflag:s30] =	ssyncpa.u1 $0x1  }
0x50: {  	[sflag:s31] =	ssyncpa.u1 $0x1  }
0x51: {  	p0 =	sne.s32 s1, $0x0;
	_ =	strace $0x90000053  }
0x52: {  	s0 =	sadd.s32 @!p0 $0x100000, s0;
	[bflag:$0x2] =	sbarrier.arrive $0xFFFF  }
0x53: {  	[sflag:s0] =	ssyncadd.tile.s32 @!p0 $0x1;
	_ =	shalt  }
.Lfunc_end2:
_tile_overlayer_lowered:
.L_overlay_start_2:
0x54: {  	(tag) =	ssettag $0x2  }
0x55: {  	s0 =	rddreg [dreg:$0x0];
	s2 =	stileid.u32  }
0x56: {  	s1 =	rddreg [dreg:$0x1];
	p0 =	sne.s32 s2, $0x0  }
0x57: {  	s3 =	rddreg [dreg:$0x2];
	[bflag:$0x3] =	sbarrier.arrive $0xFFFF;
	s2 =	simm.s32 @!p0 $0x1C01  }
0x58: {  	[timem:s3], [sflag:s2] =	dma.local @!p0 [hbm:s0], s1  }
0x59: {  	s0 =	simm.s32 @!p0 $0x1  }
0x5a: {  	_ =	swait.ge @!p0 [sflag:s0], s1  }
0x5b: {  	s1 =	ssub.s32 @!p0 $0x0, s1;
	[sflag:s0] =	ssyncset.done @!p0 $0x0  }
0x5c: {  	[sflag:s0] =	ssyncadd.s32 @!p0 s1  }
0x5d: {  	[bflag:$0x3] =	sbarrier.arrive $0xFFFF  }
0x5e: {  	_ =	shalt  }

// kernel: gather_offload_async_start.4
scs
__scs_entry_jumppad:
0x0: {  	(pc) =	sbr.rel $0x88, $3  }
0x1: {  	(tag) =	ssettag $0x0;
	lr =	simm.s32 $0x1  }
0x2: {  	[smem:$0x3F9F] =	sst lr;
	_ =	strace $0xD0000000  }
0x3: {  	_ = 	snop  }
0x4: {  	_ = 	snop  }
0x5: {  	_ = 	snop  }
0x6: {  	_ = 	snop  }
0x7: {  	_ = 	snop  }
__scs_overlays_trampoline_lowered:
0x8: {  	[smem:$0x3FAE] =	sst s0  }
0x9: {  	[smem:$0x3FAF] =	sst s1  }
0xa: {  	[smem:$0x3FB0] =	sst s2  }
0xb: {  	[smem:$0x3FB1] =	sst s3  }
0xc: {  	[smem:$0x3FB2] =	sst s4  }
0xd: {  	[smem:$0x3FB3] =	sst s5  }
0xe: {  	[smem:$0x3FB4] =	sst s6  }
0xf: {  	[smem:$0x3FB5] =	sst s7  }
0x10: {  	[smem:$0x3FB6] =	sst s8  }
0x11: {  	[smem:$0x3FB7] =	sst s9;
	s0 =	simm.s32 @!p0 $0x0  }
0x12: {  	s1 =	sld [smem:$0x3F9D];
	s0 =	simm.s32 @p0 $0x1  }
0x13: {  	[smem:$0x3FB8] =	sst s0;
	s0 =	simm.s32 @!p1 $0x0  }
0x14: {  	s2 =	sld [smem:$0x3F9C];
	s0 =	simm.s32 @p1 $0x1  }
0x15: {  	[smem:$0x3FB9] =	sst s0;
	s0 =	simm.s32 @!p2 $0x0  }
0x16: {  	s3 =	sld [smem:$0x3FDB];
	s0 =	simm.s32 @p2 $0x1  }
0x17: {  	s4 =	simm.s32 $0x1BF5;
	[smem:$0x3FBB] =	sst s0  }
0x18: {  	s0 =	sld [smem:$0x3F9E];
	_ =	swait.ge [sflag:s4], $0x0  }
0x19: {  	s7 =	sld [smem:$0x3F9F]  }
0x1a: {  	s8 =	sadd.s32 $0xFFFFE003, lr  }
0x1b: {  	s9 =	sadd.s32 $0xFFFFFEF7, lr;
	s5 =	simm.s32 $0xFFFFFFFF;
	p2 =	slt.u32 s8, $0xFFFFF086  }
0x1c: {  	p1 =	slt.u32 s9, $0xF7A;
	s5 =	simm.s32 @!p2 $0x0  }
0x1d: {  	s5 =	simm.s32 @p1 $0x1;
	p0 =	seq.s32 s7, s2  }
0x1e: {  	s7 =	smul.u32 @!p0 $0xF7A, s2;
	p2 =	seq.s32 @!p0 s5, $0x0  }
0x1f: {  	s9 =	smul.u32 $0xF7A, s1;
	s8 =	simm.s32 @!p0 $0x1BF5;
	p2 =	por !p2, p0  }
0x20: {  	[sflag:s8] =	ssyncset.s32 @!p0 $0xFFFFF086;
	s6 =	sadd.s32 @!p0 s3, s7;
	s7 =	simm.s32 @!p0 $0x108  }
0x21: {  	s3 =	sadd.s32 s3, s9;
	s6 =	sadd.s32 @!p0 $0x88, s6;
	s7 =	simm.s32 @p2 $0x1082  }
0x22: {  	[simem:s7], [sflag:s8] =	dma.local @!p0 [hbm:s6], $0xF7A  }
0x23: {  	s9 =	sor.u32 $0xD0000000, s2;
	s6 =	simm.s32 $0x108;
	_ =	swait.ge @!p0 [sflag:s8], $0x0  }
0x24: {  	s3 =	sadd.s32 $0x88, s3;
	s6 =	simm.s32 @!p1 $0x1082;
	[sflag:s4] =	ssyncset.s32 $0xFFFFF086  }
0x25: {  	[simem:s6], [sflag:s4] =	dma.local [hbm:s3], $0xF7A  }
0x26: {  	[smem:$0x3F9F] =	sst s1;
	(tag) =	ssettag s2;
	_ =	strace s9  }
0x27: {  	s1 =	sld [smem:$0x3FAF]  }
0x28: {  	s2 =	sld [smem:$0x3FB0]  }
0x29: {  	s4 =	sld [smem:$0x3FB2]  }
0x2a: {  	p0 =	seq.s32 s5, $0x0;
	s5 =	sld [smem:$0x3FB3]  }
0x2b: {  	s6 =	sld [smem:$0x3FB4]  }
0x2c: {  	s7 =	sld [smem:$0x3FB5]  }
0x2d: {  	s3 =	simm.s32 $0x108;
	s8 =	sld [smem:$0x3FB6]  }
0x2e: {  	s3 =	simm.s32 @!p0 $0x1082;
	s9 =	sld [smem:$0x3FB7]  }
0x2f: {  	lr =	sadd.s32 s0, s3;
	s0 =	sld [smem:$0x3FAE]  }
0x30: {  	s3 =	sld [smem:$0x3FB1]  }
0x31: {  	[smem:$0x3FBA] =	sst s10  }
0x32: {  	s10 =	sld [smem:$0x3FB8];
	_ =	sdelay $0x3  }
0x33: {  	p0 =	seq.s32 s10, $0x1;
	s10 =	sld [smem:$0x3FBA];
	_ =	sdelay $0x3  }
0x34: {  	[smem:$0x3FBA] =	sst s10  }
0x35: {  	s10 =	sld [smem:$0x3FB9];
	_ =	sdelay $0x3  }
0x36: {  	p1 =	seq.s32 s10, $0x1;
	s10 =	sld [smem:$0x3FBA];
	_ =	sdelay $0x3  }
0x37: {  	[smem:$0x3FBA] =	sst s10  }
0x38: {  	s10 =	sld [smem:$0x3FBB]  }
0x39: {  	_ = 	snop;
	(pc) =	sbr.ind lr, $3  }
0x3a: {  	_ = 	snop  }
0x3b: {  	_ = 	snop  }
0x3c: {  	p2 =	seq.s32 s10, $0x1;
	s10 =	sld [smem:$0x3FBA]  }
0x3d: {  	_ =	shalt  }
0x3e: {  	_ =	shalt  }
0x3f: {  	_ =	shalt  }
0x40: {  	_ =	shalt  }
0x41: {  	_ =	shalt  }
0x42: {  	_ =	shalt  }
0x43: {  	_ =	shalt  }
0x44: {  	_ =	shalt  }
0x45: {  	_ =	shalt  }
0x46: {  	_ =	shalt  }
0x47: {  	_ =	shalt  }
0x48: {  	_ =	shalt  }
0x49: {  	_ =	shalt  }
0x4a: {  	_ =	shalt  }
0x4b: {  	_ =	shalt  }
0x4c: {  	_ =	shalt  }
0x4d: {  	_ =	shalt  }
0x4e: {  	_ =	shalt  }
0x4f: {  	_ =	shalt  }
0x50: {  	_ =	shalt  }
0x51: {  	_ =	shalt  }
0x52: {  	_ =	shalt  }
0x53: {  	_ =	shalt  }
0x54: {  	_ =	shalt  }
0x55: {  	_ =	shalt  }
0x56: {  	_ =	shalt  }
0x57: {  	_ =	shalt  }
0x58: {  	_ =	shalt  }
0x59: {  	_ =	shalt  }
0x5a: {  	_ =	shalt  }
0x5b: {  	_ =	shalt  }
0x5c: {  	_ =	shalt  }
0x5d: {  	_ =	shalt  }
0x5e: {  	_ =	shalt  }
0x5f: {  	_ =	shalt  }
0x60: {  	_ =	shalt  }
0x61: {  	_ =	shalt  }
0x62: {  	_ =	shalt  }
0x63: {  	_ =	shalt  }
0x64: {  	_ =	shalt  }
0x65: {  	_ =	shalt  }
0x66: {  	_ =	shalt  }
0x67: {  	_ =	shalt  }
0x68: {  	_ =	shalt  }
0x69: {  	_ =	shalt  }
0x6a: {  	_ =	shalt  }
0x6b: {  	_ =	shalt  }
0x6c: {  	_ =	shalt  }
0x6d: {  	_ =	shalt  }
0x6e: {  	_ =	shalt  }
0x6f: {  	_ =	shalt  }
0x70: {  	_ =	shalt  }
0x71: {  	_ =	shalt  }
0x72: {  	_ =	shalt  }
0x73: {  	_ =	shalt  }
0x74: {  	_ =	shalt  }
0x75: {  	_ =	shalt  }
0x76: {  	_ =	shalt  }
0x77: {  	_ =	shalt  }
0x78: {  	_ =	shalt  }
0x79: {  	_ =	shalt  }
0x7a: {  	_ =	shalt  }
0x7b: {  	_ =	shalt  }
0x7c: {  	_ =	shalt  }
0x7d: {  	_ =	shalt  }
0x7e: {  	_ =	shalt  }
0x7f: {  	_ =	shalt  }
0x80: {  	_ =	shalt  }
0x81: {  	_ =	shalt  }
0x82: {  	_ =	shalt  }
0x83: {  	_ =	shalt  }
0x84: {  	_ =	shalt  }
0x85: {  	_ =	shalt  }
0x86: {  	_ =	shalt  }
0x87: {  	_ =	shalt  }
.Lfunc_end0:
.L_simem_size_0:
called_computation.4_lowered:
.L_overlay_start_0:
0x88: {  	s2 =	sld [smem:$0x3FD9]  }
0x89: {  	s3 =	sld [smem:$0x3FFE];
	_ =	sdelay $0x1  }
0x8a: {  	s1 =	srdreg.scid  }
0x8b: {  	s0 =	sand.u32 $0x1, s1  }
0x8c: {  	s17 =	sshll.u32 s0, $0xA;
	s2 =	sadd.s32 s3, s2  }
0x8d: {  	s2 =	sadd.s32 s2, s17  }
0x8e: {  	[smem:$0x3FC6] =	sst s2  }
0x8f: {  	_ = 	snop  }
0x90: {  	(tm) =	ssettm $0x1  }
0x91: {  	s18 =	sld [smem:$0x3FFB];
	_ =	sdelay $0x3  }
0x92: {  	_ =	strace s18  }
0x93: {  	s2 =	sld [smem:$0x3FFC];
	_ =	sdelay $0x3  }
0x94: {  	_ =	strace s2  }
0x95: {  	s2 =	sld [smem:$0x3FFD];
	_ =	sdelay $0x3  }
0x96: {  	_ =	strace s2  }
0x97: {  	_ =	strace $0x8FFFFFFF  }
0x98: {  	s19 =	sld [smem:$0x3FDB];
	_ =	sdelay $0x1  }
0x99: {  	s20 =	simm.s32 $_scs_section_size  }
0x9a: {  	s4 =	simm.s32 $_size__tile_overlayer_lowered;
	s5 =	simm.s32 $_tile_overlayer_lowered  }
0x9b: {  	s6 =	simm.s32 $0x1BFF;
	s21 =	sshll.u32 s5, $0x1;
	s3 =	sadd.s32 s20, s19  }
0x9c: {  	s22 =	simm.s32 $0x0;
	s4 =	sshll.u32 s4, $0x1;
	s5 =	sadd.s32 s21, s3  }
0x9d: {  	[timem:s22], [sflag:s6] =	dma.local [hbm:s5], s4  }
0x9e: {  	_ =	swait.ge [sflag:s6], s4  }
0x9f: {  	s4 =	ssub.s32 $0x0, s4;
	[sflag:s6] =	ssyncset.done $0x0  }
0xa0: {  	[sflag:s6] =	ssyncadd.s32 s4;
	_ =	sdelay $0x1  }
0xa1: {  	s23 =	simm.s32 $0x1B8B  }
0xa2: {  	_ =	swait.ge [sflag:s23], $0x1  }
0xa3: {  	[sflag:s23] =	ssyncset.done $0x0  }
0xa4: {  	[sflag:s23] =	ssyncadd.s32 $0xFFFFFFFF  }
0xa5: {  	s4 =	sld [smem:$0x0]  }
0xa6: {  	s5 =	sand.u32 $0xFFFFFFFE, s1  }
0xa7: {  	p0 =	sne.s32 s1, s5  }
0xa8: {  	s5 =	sshll.u32 @p0 s5, $0xE  }
0xa9: {  	s5 =	sadd.s32 @p0 $0x11B8D, s5;
	s6 =	sshll.u32 @p0 s4, $0x11  }
0xaa: {  	s5 =	sor.u32 @p0 s6, s5  }
0xab: {  	[sflag:s5] =	ssyncadd.remote.s32 @p0 $0x1;
	_ =	sdelay $0x1  }
0xac: {  	s5 =	simm.s32 @p0 $0x1B8D  }
0xad: {  	_ =	swait.eq @p0 [sflag:s5], $0x1  }
0xae: {  	[sflag:s5] =	ssyncadd.s32 @p0 $0xFFFFFFFF  }
0xaf: {  	s6 =	sshll.u32 @!p0 s1, $0xE  }
0xb0: {  	s6 =	sor.u32 @!p0 $0x4000, s6;
	s5 =	simm.s32 @!p0 $0x1B8D  }
0xb1: {  	s4 =	sshll.u32 @!p0 s4, $0x11;
	s6 =	sadd.s32 @!p0 $0x11B8D, s6;
	_ =	swait.eq @!p0 [sflag:s5], $0x1  }
0xb2: {  	s4 =	sor.u32 @!p0 s4, s6;
	[sflag:s5] =	ssyncadd.s32 @!p0 $0xFFFFFFFF  }
0xb3: {  	s25 =	simm.s32 $0x1B8E;
	s24 =	sld [smem:$0x3FFE];
	[sflag:s4] =	ssyncadd.remote.s32 @!p0 $0x1  }
0xb4: {  	s26 =	simm.s32 $execute0_lowered;
	[smem:$0x3FD2] =	sst s25  }
0xb5: {  	s5 =	sshll.u32 s26, $0x1;
	_ =	strace $0x8000004F;
	[dreg:$0x1] =	wrdreg $0xFFFFFFFF  }
0xb6: {  	s28 =	simm.s32 $_size_execute0_lowered;
	s3 =	sadd.s32 s3, s5;
	[dreg:$0x0] =	wrdreg $0x0  }
0xb7: {  	s5 =	sshll.u32 s28, $0x1;
	[dreg:$0x2] =	wrdreg s3  }
0xb8: {  	[dreg:$0x3] =	wrdreg s5  }
0xb9: {  	[dreg:$0x4] =	wrdreg $0xC0  }
0xba: {  	_ =	task [dreg:s22], $0x5FFFF  }
0xbb: {  	[dreg:$0x1] =	wrdreg $0xFFFFFFFF  }
0xbc: {  	[dreg:$0x0] =	wrdreg $0x60  }
0xbd: {  	[dreg:$0x2] =	wrdreg s24  }
0xbe: {  	[dreg:$0x3] =	wrdreg $0x9  }
0xbf: {  	_ =	task.clear_ibuf [dreg:s22], $0x4FFFF;
	_ =	strace $0x9000004F  }
0xc0: {  	s29 =	simm.s32 $0x9;
	_ =	strace $0x80000051  }
0xc1: {  	_ =	swait.ge [sflag:s29], $0x1  }
0xc2: {  	[sflag:s29] =	ssyncadd.s32 $0xFFFFFFFF  }
0xc3: {  	_ =	strace $0x90000051  }
0xc4: {  	_ =	sfence  }
0xc5: {  	s30 =	sld [smem:$0x0];
	_ =	sdelay $0x2  }
0xc6: {  	s31 =	sshll.u32 s1, $0xD;
	s1 =	sshrl.u32 s1, $0x2  }
0xc7: {  	s4 =	sand.u32 $0x4000, s31;
	s1 =	sadd.s32 s1, s30  }
0xc8: {  	s0 =	sor.u32 s4, s0;
	s1 =	sshll.u32 s1, $0x11  }
0xc9: {  	s0 =	sor.u32 s1, s0  }
0xca: {  	s0 =	sadd.s32 $0x8F2B, s0  }
0xcb: {  	[sflag:s0] =	ssyncadd.remote.s32 $0x1  }
0xcc: {  	_ =	sfence.sel $0xFFFF  }
0xcd: {  	[dreg:$0x0] =	wrdreg $0xFFFFFFFF;
	(pc) =	sbr.abs _section_cstart, $3  }
0xce: {  	[dreg:$0x1] =	wrdreg $0xFFFFFFFF  }
0xcf: {  	_ =	task.clear_ibuf [dreg:s22], $0x2FFFF;
	_ =	strace $0x9FFFFFFF  }
0xd0: {  	(tm) =	ssettm $0x7FFFFFFF  }
0xd1: {  	_ =	shalt  }
tec
execute0_lowered:
.L_overlay_start_1:
0x0: {  	(tag) =	ssettag $0x1  }
0x1: {  	s0 =	srdreg.scid;
	s5 =	rddreg [dreg:$0x0]  }
0x2: {  	s1 =	stileid.u32;
	s6 =	simm.s32 $0x1;
	s9 =	simm.s32 $0x1  }
0x3: {  	s10 =	simm.s32 $0x3;
	s13 =	simm.s32 $0x0;
	s2 =	sshll.u32 s0, $0x7  }
0x4: {  	s12 =	simm.s32 $0x0;
	s3 =	sshll.u32 s1, $0x8;
	s2 =	sand.u32 $0x80, s2  }
0x5: {  	s0 =	rddreg [dreg:$0x1];
	_ =	strace $0x80000050;
	s2 =	sor.u32 s3, s2  }
0x6: {  	s4 =	sadd.s32 $0x1200, s5;
	[sflag:s6] =	ssyncpa.u1 $0x0;
	s8 =	ssub.s32 $0x2000, s2  }
.Ltmp0:
0x7: {  	s3 =	sadd.s32 $0x200, s5;
	s7 =	sand.u32 $0xF80, s8;
	(pc) =	sbr.rel .LBB2_1-.Ltmp0, $4  }
0x8: {  	s5 =	sadd.s32 $0x1A00, s5;
	s11 =	smov.u32 s2;
	p0 =	sne.s32 s7, $0x0  }
0x9: {  	s8 =	sshrl.u32 s8, $0xC;
	s7 =	simm.s32 $0x2;
	s9 =	simm.s32 @!p0 $0x0  }
0xa: {  	[sflag:s7] =	ssyncpa.u1 $0x0;
	p0 =	por $0x0, $0x0;
	s8 =	sadd.s32 s9, s8  }
0xb: {  	vm0 =	vmmov $0xffff;
	[sflag:s10] =	ssyncpa.u1 $0x0;
	s10 =	simm.s32 $0x0;
	s9 =	sadd.s32 $0x1, s8  }
.LBB2_4:
0xc: {  	v5 =	vld.msk [tilespmem:s18+$0x0 ss:$0x1], $0xffff  }
0xd: {  	v6 =	vand.u32 $0x1, v1;
	v7 =	vshrl.u32 v1, $0x1  }
0xe: {  	v3 =	vor.u32 v4, v3;
	vm1 =	veq.s32 v1, $0x80000000;
	v53 =	vand.u32 $0xFFF, v7  }
0xf: {  	v2 =	vor.u32 v2, v3;
	v54 =	vsel vm1, $0xFFFFFFFF, v6;
	v1 =	vsel vm1, $0xFFFFFFFF, v53  }
0x10: {  	v6 =	vshll.u32 v54, $0x7;
	v3 =	vand.u32 $0xFFFFE000, v54;
	v55 =	vand.u32 $0x7F, v1  }
0x11: {  	v1 =	vshll.u32 v1, $0x1;
	v6 =	vand.u32 $0x80, v6;
	v56 =	vshrl.u32 v5, $0x1  }
0x12: {  	v1 =	vand.u32 $0xFFFFFF00, v1;
	vm1 =	veq.s32 v5, $0x80000000;
	v57 =	vand.u32 $0xFFF, v56  }
0x13: {  	v1 =	vadd.s32 v3, v1;
	v5 =	vand.u32 $0x1, v5;
	v3 =	vsel vm1, $0xFFFFFFFF, v57  }
0x14: {  	v1 =	vor.u32 v6, v1;
	v5 =	vsel vm1, $0xFFFFFFFF, v5;
	v58 =	vshll.u32 v3, $0x1  }
0x15: {  	v59 =	vshll.u32 v5, $0x7;
	v5 =	vand.u32 $0xFFFFE000, v5;
	v6 =	vand.u32 $0xFFFFFF00, v58  }
0x16: {  	v1 =	vor.u32 v55, v1;
	v61 =	vand.u32 $0x80, v59;
	v60 =	vadd.s32 v5, v6  }
0x17: {  	[tilespmem:s16], [sflag:$0x1] =	stream.indirect_vreg.gather [hbm4b:s3+s10], $0x1, v0, vm0, $0x4038;
	v62 =	vand.u32 $0x7F, v3;
	v63 =	vor.u32 v61, v60;
	[tilespmem:$0x200] =	vst v63  }
0x18: {  	(ifvalue) =	ssetifvalue $0x7FFFFFFF;
	v0 =	vor.u32 v62, v63  }
0x19: {  	[tilespmem:s15], [sflag:$0x1] =	stream.indirect_vreg.gather [hbm4b:s3+s10], $0x1, v2, vm0, $0x4038;
	[tilespmem:$0x200] =	vst v63  }
0x1a: {  	s29 =	sadd.s32 $0x10, s15;
	(ifvalue) =	ssetifvalue $0x7FFFFFFF  }
0x1b: {  	[tilespmem:s29], [sflag:$0x1] =	stream.indirect_vreg.gather [hbm4b:s3+s10], $0x1, v1, vm0, $0x4038;
	[tilespmem:$0x200] =	vst v63  }
0x1c: {  	s15 =	sadd.s32 $0x10, s29;
	(ifvalue) =	ssetifvalue $0x7FFFFFFF  }
0x1d: {  	[tilespmem:s15], [sflag:$0x1] =	stream.indirect_vreg.gather [hbm4b:s3+s10], $0x1, v0, vm0, $0x4038;
	[tilespmem:$0x200] =	vst v63  }
0x1e: {  	_ =	swait.ge [sflag:s6], $0x80  }
0x1f: {  	s30 =	sshrl.u32 s13, $0x3;
	[sflag:s6] =	ssyncset.done $0x0  }
0x20: {  	s31 =	sand.u32 $0x7, s13;
	s15 =	sadd.s32 s5, s30;
	[sflag:s6] =	ssyncadd.s32 $0xFFFFFF80  }
0x21: {  	[hbm4b:s15+s31] =	stream.linear.scatter [tilespmem:s14], [sflag:$0x3], $0x80, $0x38;
	[tilespmem:$0x200] =	vst v63  }
.LBB2_5:
0x22: {  	s15 =	sadd.s32 $0x1000, s11  }
0x23: {  	p2 =	sgt.s32 s15, $0x1FFF  }
0x24: {  	s15 =	smov.u32 @p2 s2;
	p2 =	sne.s32 s12, s9  }
.Ltmp1:
0x25: {  	p1 =	slt.u32 s12, $0x2;
	(pc) =	sbr.rel @!p2 .LBB2_6-.Ltmp1, $4  }
0x26: {  	s14 =	simm.s32 @!p1 $0x3  }
0x27: {  	s16 =	sadd.s32 $0x1, s12;
	_ =	swait.ge @!p1 [sflag:s14], $0x80  }
0x28: {  	s13 =	smov.u32 s11;
	p0 =	por !p0, !p0;
	[sflag:s14] =	ssyncset.done @!p1 $0x0  }
0x29: {  	s12 =	smov.u32 s16;
	s11 =	smov.u32 s15;
	[sflag:s14] =	ssyncadd.s32 @!p1 $0xFFFFFF80  }
.LBB2_1:
0x2a: {  	p1 =	sge.u32 s12, s8  }
0x2b: {  	s14 =	sxor.u32 @!p1 $0xFFFFFFFF, s12  }
0x2c: {  	s31 =	sadd.s32 $0xFFFFFFFF, s12;
	s15 =	sshrl.u32 @!p1 s11, $0x3;
	s14 =	sshll.u32 @!p1 s14, $0x7  }
0x2d: {  	s16 =	sand.u32 @!p1 $0x7, s11;
	s15 =	sadd.s32 @!p1 s4, s15;
	s14 =	sand.u32 @!p1 $0x80, s14  }
0x2e: {  	[tilespmem:s14], [sflag:$0x2] =	stream.linear.gather @!p1 [hbm4b:s15+s16], $0x80, $0x38;
	[tilespmem:$0x200] =	vst v63  }
0x2f: {  	p1 =	sge.u32 s31, s8  }
.Ltmp2:
0x30: {  	_ = 	snop;
	(pc) =	sbr.rel @p1 .LBB2_5-.Ltmp2, $1  }
0x31: {  	_ =	sdelay $0x3  }
0x32: {  	s14 =	simm.s32 $0x1  }
0x33: {  	_ =	swait.ge [sflag:s7], $0x80;
	s14 =	simm.s32 @!p0 $0x0  }
0x34: {  	[sflag:s7] =	ssyncset.done $0x0;
	s14 =	sshll.u32 s14, $0x7  }
0x35: {  	[sflag:s7] =	ssyncadd.s32 $0xFFFFFF80;
	(ifvalue) =	ssetifvalue $0x7FFFFFFF;
	v0 =	vld.msk [tilespmem:s14+$0x0 ss:$0x1], $0xffff;
	_ =	sdelay $0x4  }
0x36: {  	s15 =	sadd.s32 $0x10, s14;
	v2 =	vshrl.u32 v0, $0x1  }
0x37: {  	v1 =	vld.msk [tilespmem:s15+$0x0 ss:$0x1], $0xffff;
	vm1 =	veq.s32 v0, $0x80000000;
	v2 =	vand.u32 $0xFFF, v2  }
0x38: {  	v0 =	vand.u32 $0x1, v0;
	v2 =	vsel vm1, $0xFFFFFFFF, v2  }
0x39: {  	v0 =	vsel vm1, $0xFFFFFFFF, v0;
	v3 =	vshll.u32 v2, $0x1  }
0x3a: {  	v4 =	vand.u32 $0xFFFFE000, v0;
	v0 =	vshll.u32 v0, $0x7;
	v3 =	vand.u32 $0xFFFFFF00, v3  }
0x3b: {  	v0 =	vand.u32 $0x80, v0;
	v3 =	vadd.s32 v4, v3  }
0x3c: {  	v2 =	vand.u32 $0x7F, v2;
	v4 =	vshrl.u32 v1, $0x1;
	v0 =	vor.u32 v0, v3  }
0x3d: {  	vm1 =	veq.s32 v1, $0x80000000;
	v4 =	vand.u32 $0xFFF, v4;
	v0 =	vor.u32 v2, v0  }
0x3e: {  	s16 =	sshll.u32 s12, $0x7;
	s15 =	sadd.s32 $0x10, s15;
	v1 =	vand.u32 $0x1, v1;
	v3 =	vsel vm1, $0xFFFFFFFF, v4  }
0x3f: {  	s17 =	sand.u32 $0x80, s16;
	v2 =	vsel vm1, $0xFFFFFFFF, v1;
	v1 =	vld.msk [tilespmem:s15+$0x0 ss:$0x1], $0xffff;
	v4 =	vshll.u32 v3, $0x1  }
0x40: {  	s16 =	sor.u32 $0x100, s14;
	s14 =	sor.u32 $0x100, s17;
	s17 =	simm.s32 $0x30;
	v5 =	vshll.u32 v2, $0x7;
	v6 =	vand.u32 $0xFFFFE000, v2;
	v4 =	vand.u32 $0xFFFFFF00, v4  }
0x41: {  	s18 =	sadd.s32 $0x10, s15;
	(ifvalue) =	ssetifvalue $0x7FFFFFFF;
	s15 =	sadd.s32 $0x10, s16;
	v2 =	vand.u32 $0x7F, v3;
	v3 =	vadd.s32 v6, v4;
	v4 =	vand.u32 $0x80, v5  }
.LBB2_3:
0x42: {  	[tilespmem:s16], [sflag:$0x1] =	stream.indirect_vreg.gather [hbm4b:s3+s10], $0x1, v0, vm0, $0x4038;
	[tilespmem:$0x200] =	vst v63  }
0x43: {  	s17 =	sadd.s32 $0x10, s17  }
0x44: {  	v5 =	vand.u32 $0x1, v1;
	v6 =	vshrl.u32 v1, $0x1;
	v3 =	vor.u32 v4, v3;
	v0 =	vmovc v1;
	v1 =	vld.msk [tilespmem:s18+$0x0 ss:$0x1], $0xffff;
	p1 =	slt.u32 s17, $0x70  }
.Ltmp3:
0x45: {  	s16 =	smov.u32 s15;
	vm1 =	veq.s32 v0, $0x80000000;
	v4 =	vand.u32 $0xFFF, v6;
	v0 =	vor.u32 v2, v3;
	(pc) =	sbr.rel @p1 .LBB2_3-.Ltmp3, $4  }
0x46: {  	v3 =	vsel vm1, $0xFFFFFFFF, v5;
	v4 =	vsel vm1, $0xFFFFFFFF, v4  }
0x47: {  	v2 =	vand.u32 $0x7F, v4;
	v4 =	vshll.u32 v4, $0x1;
	v5 =	vshll.u32 v3, $0x7  }
0x48: {  	v3 =	vand.u32 $0xFFFFE000, v3;
	v4 =	vand.u32 $0xFFFFFF00, v4  }
0x49: {  	s18 =	sadd.s32 $0x10, s18;
	s15 =	sadd.s32 $0x10, s15;
	v3 =	vadd.s32 v3, v4;
	v4 =	vand.u32 $0x80, v5;
	(ifvalue) =	ssetifvalue $0x7FFFFFFF  }
.Ltmp4:
0x4a: {  	_ = 	snop;
	(pc) =	sbr.rel .LBB2_4-.Ltmp4, $1  }
0x4b: {  	_ =	sdelay $0x3  }
.LBB2_6:
0x4c: {  	_ =	sfence.sel $0x180000  }
0x4d: {  	s2 =	simm.s32 $0x2;
	[bflag:$0x0] =	sbarrier.arrive $0xFFFF  }
0x4e: {  	s30 =	simm.s32 $0x3;
	[sflag:s2] =	ssyncpa.u1 $0x1  }
0x4f: {  	s31 =	simm.s32 $0x1;
	[sflag:s30] =	ssyncpa.u1 $0x1  }
0x50: {  	[sflag:s31] =	ssyncpa.u1 $0x1  }
0x51: {  	p0 =	sne.s32 s1, $0x0;
	_ =	strace $0x90000050  }
0x52: {  	s0 =	sadd.s32 @!p0 $0x100000, s0;
	[bflag:$0x2] =	sbarrier.arrive $0xFFFF  }
0x53: {  	[sflag:s0] =	ssyncadd.tile.s32 @!p0 $0x1;
	_ =	shalt  }
.Lfunc_end2:
_tile_overlayer_lowered:
.L_overlay_start_2:
0x54: {  	(tag) =	ssettag $0x2  }
0x55: {  	s0 =	rddreg [dreg:$0x0];
	s2 =	stileid.u32  }
0x56: {  	s1 =	rddreg [dreg:$0x1];
	p0 =	sne.s32 s2, $0x0  }
0x57: {  	s3 =	rddreg [dreg:$0x2];
	[bflag:$0x3] =	sbarrier.arrive $0xFFFF;
	s2 =	simm.s32 @!p0 $0x1C01  }
0x58: {  	[timem:s3], [sflag:s2] =	dma.local @!p0 [hbm:s0], s1  }
0x59: {  	s0 =	simm.s32 @!p0 $0x1  }
0x5a: {  	_ =	swait.ge @!p0 [sflag:s0], s1  }
0x5b: {  	s1 =	ssub.s32 @!p0 $0x0, s1;
	[sflag:s0] =	ssyncset.done @!p0 $0x0  }
0x5c: {  	[sflag:s0] =	ssyncadd.s32 @!p0 s1  }
0x5d: {  	[bflag:$0x3] =	sbarrier.arrive $0xFFFF  }
0x5e: {  	_ =	shalt  }

// kernel: gather_offload_async_start.5
scs
__scs_entry_jumppad:
0x0: {  	(pc) =	sbr.rel $0x88, $3  }
0x1: {  	(tag) =	ssettag $0x0;
	lr =	simm.s32 $0x1  }
0x2: {  	[smem:$0x3F9F] =	sst lr;
	_ =	strace $0xD0000000  }
0x3: {  	_ = 	snop  }
0x4: {  	_ = 	snop  }
0x5: {  	_ = 	snop  }
0x6: {  	_ = 	snop  }
0x7: {  	_ = 	snop  }
__scs_overlays_trampoline_lowered:
0x8: {  	[smem:$0x3FAE] =	sst s0  }
0x9: {  	[smem:$0x3FAF] =	sst s1  }
0xa: {  	[smem:$0x3FB0] =	sst s2  }
0xb: {  	[smem:$0x3FB1] =	sst s3  }
0xc: {  	[smem:$0x3FB2] =	sst s4  }
0xd: {  	[smem:$0x3FB3] =	sst s5  }
0xe: {  	[smem:$0x3FB4] =	sst s6  }
0xf: {  	[smem:$0x3FB5] =	sst s7  }
0x10: {  	[smem:$0x3FB6] =	sst s8  }
0x11: {  	[smem:$0x3FB7] =	sst s9;
	s0 =	simm.s32 @!p0 $0x0  }
0x12: {  	s1 =	sld [smem:$0x3F9D];
	s0 =	simm.s32 @p0 $0x1  }
0x13: {  	[smem:$0x3FB8] =	sst s0;
	s0 =	simm.s32 @!p1 $0x0  }
0x14: {  	s2 =	sld [smem:$0x3F9C];
	s0 =	simm.s32 @p1 $0x1  }
0x15: {  	[smem:$0x3FB9] =	sst s0;
	s0 =	simm.s32 @!p2 $0x0  }
0x16: {  	s3 =	sld [smem:$0x3FDB];
	s0 =	simm.s32 @p2 $0x1  }
0x17: {  	s4 =	simm.s32 $0x1BF5;
	[smem:$0x3FBB] =	sst s0  }
0x18: {  	s0 =	sld [smem:$0x3F9E];
	_ =	swait.ge [sflag:s4], $0x0  }
0x19: {  	s7 =	sld [smem:$0x3F9F]  }
0x1a: {  	s8 =	sadd.s32 $0xFFFFE003, lr  }
0x1b: {  	s9 =	sadd.s32 $0xFFFFFEF7, lr;
	s5 =	simm.s32 $0xFFFFFFFF;
	p2 =	slt.u32 s8, $0xFFFFF086  }
0x1c: {  	p1 =	slt.u32 s9, $0xF7A;
	s5 =	simm.s32 @!p2 $0x0  }
0x1d: {  	s5 =	simm.s32 @p1 $0x1;
	p0 =	seq.s32 s7, s2  }
0x1e: {  	s7 =	smul.u32 @!p0 $0xF7A, s2;
	p2 =	seq.s32 @!p0 s5, $0x0  }
0x1f: {  	s9 =	smul.u32 $0xF7A, s1;
	s8 =	simm.s32 @!p0 $0x1BF5;
	p2 =	por !p2, p0  }
0x20: {  	[sflag:s8] =	ssyncset.s32 @!p0 $0xFFFFF086;
	s6 =	sadd.s32 @!p0 s3, s7;
	s7 =	simm.s32 @!p0 $0x108  }
0x21: {  	s3 =	sadd.s32 s3, s9;
	s6 =	sadd.s32 @!p0 $0x88, s6;
	s7 =	simm.s32 @p2 $0x1082  }
0x22: {  	[simem:s7], [sflag:s8] =	dma.local @!p0 [hbm:s6], $0xF7A  }
0x23: {  	s9 =	sor.u32 $0xD0000000, s2;
	s6 =	simm.s32 $0x108;
	_ =	swait.ge @!p0 [sflag:s8], $0x0  }
0x24: {  	s3 =	sadd.s32 $0x88, s3;
	s6 =	simm.s32 @!p1 $0x1082;
	[sflag:s4] =	ssyncset.s32 $0xFFFFF086  }
0x25: {  	[simem:s6], [sflag:s4] =	dma.local [hbm:s3], $0xF7A  }
0x26: {  	[smem:$0x3F9F] =	sst s1;
	(tag) =	ssettag s2;
	_ =	strace s9  }
0x27: {  	s1 =	sld [smem:$0x3FAF]  }
0x28: {  	s2 =	sld [smem:$0x3FB0]  }
0x29: {  	s4 =	sld [smem:$0x3FB2]  }
0x2a: {  	p0 =	seq.s32 s5, $0x0;
	s5 =	sld [smem:$0x3FB3]  }
0x2b: {  	s6 =	sld [smem:$0x3FB4]  }
0x2c: {  	s7 =	sld [smem:$0x3FB5]  }
0x2d: {  	s3 =	simm.s32 $0x108;
	s8 =	sld [smem:$0x3FB6]  }
0x2e: {  	s3 =	simm.s32 @!p0 $0x1082;
	s9 =	sld [smem:$0x3FB7]  }
0x2f: {  	lr =	sadd.s32 s0, s3;
	s0 =	sld [smem:$0x3FAE]  }
0x30: {  	s3 =	sld [smem:$0x3FB1]  }
0x31: {  	[smem:$0x3FBA] =	sst s10  }
0x32: {  	s10 =	sld [smem:$0x3FB8];
	_ =	sdelay $0x3  }
0x33: {  	p0 =	seq.s32 s10, $0x1;
	s10 =	sld [smem:$0x3FBA];
	_ =	sdelay $0x3  }
0x34: {  	[smem:$0x3FBA] =	sst s10  }
0x35: {  	s10 =	sld [smem:$0x3FB9];
	_ =	sdelay $0x3  }
0x36: {  	p1 =	seq.s32 s10, $0x1;
	s10 =	sld [smem:$0x3FBA];
	_ =	sdelay $0x3  }
0x37: {  	[smem:$0x3FBA] =	sst s10  }
0x38: {  	s10 =	sld [smem:$0x3FBB]  }
0x39: {  	_ = 	snop;
	(pc) =	sbr.ind lr, $3  }
0x3a: {  	_ = 	snop  }
0x3b: {  	_ = 	snop  }
0x3c: {  	p2 =	seq.s32 s10, $0x1;
	s10 =	sld [smem:$0x3FBA]  }
0x3d: {  	_ =	shalt  }
0x3e: {  	_ =	shalt  }
0x3f: {  	_ =	shalt  }
0x40: {  	_ =	shalt  }
0x41: {  	_ =	shalt  }
0x42: {  	_ =	shalt  }
0x43: {  	_ =	shalt  }
0x44: {  	_ =	shalt  }
0x45: {  	_ =	shalt  }
0x46: {  	_ =	shalt  }
0x47: {  	_ =	shalt  }
0x48: {  	_ =	shalt  }
0x49: {  	_ =	shalt  }
0x4a: {  	_ =	shalt  }
0x4b: {  	_ =	shalt  }
0x4c: {  	_ =	shalt  }
0x4d: {  	_ =	shalt  }
0x4e: {  	_ =	shalt  }
0x4f: {  	_ =	shalt  }
0x50: {  	_ =	shalt  }
0x51: {  	_ =	shalt  }
0x52: {  	_ =	shalt  }
0x53: {  	_ =	shalt  }
0x54: {  	_ =	shalt  }
0x55: {  	_ =	shalt  }
0x56: {  	_ =	shalt  }
0x57: {  	_ =	shalt  }
0x58: {  	_ =	shalt  }
0x59: {  	_ =	shalt  }
0x5a: {  	_ =	shalt  }
0x5b: {  	_ =	shalt  }
0x5c: {  	_ =	shalt  }
0x5d: {  	_ =	shalt  }
0x5e: {  	_ =	shalt  }
0x5f: {  	_ =	shalt  }
0x60: {  	_ =	shalt  }
0x61: {  	_ =	shalt  }
0x62: {  	_ =	shalt  }
0x63: {  	_ =	shalt  }
0x64: {  	_ =	shalt  }
0x65: {  	_ =	shalt  }
0x66: {  	_ =	shalt  }
0x67: {  	_ =	shalt  }
0x68: {  	_ =	shalt  }
0x69: {  	_ =	shalt  }
0x6a: {  	_ =	shalt  }
0x6b: {  	_ =	shalt  }
0x6c: {  	_ =	shalt  }
0x6d: {  	_ =	shalt  }
0x6e: {  	_ =	shalt  }
0x6f: {  	_ =	shalt  }
0x70: {  	_ =	shalt  }
0x71: {  	_ =	shalt  }
0x72: {  	_ =	shalt  }
0x73: {  	_ =	shalt  }
0x74: {  	_ =	shalt  }
0x75: {  	_ =	shalt  }
0x76: {  	_ =	shalt  }
0x77: {  	_ =	shalt  }
0x78: {  	_ =	shalt  }
0x79: {  	_ =	shalt  }
0x7a: {  	_ =	shalt  }
0x7b: {  	_ =	shalt  }
0x7c: {  	_ =	shalt  }
0x7d: {  	_ =	shalt  }
0x7e: {  	_ =	shalt  }
0x7f: {  	_ =	shalt  }
0x80: {  	_ =	shalt  }
0x81: {  	_ =	shalt  }
0x82: {  	_ =	shalt  }
0x83: {  	_ =	shalt  }
0x84: {  	_ =	shalt  }
0x85: {  	_ =	shalt  }
0x86: {  	_ =	shalt  }
0x87: {  	_ =	shalt  }
.Lfunc_end0:
.L_simem_size_0:
called_computation.5_lowered:
.L_overlay_start_0:
0x88: {  	s2 =	sld [smem:$0x3FD9]  }
0x89: {  	s3 =	sld [smem:$0x3FFE];
	_ =	sdelay $0x1  }
0x8a: {  	s1 =	srdreg.scid  }
0x8b: {  	s0 =	sand.u32 $0x1, s1  }
0x8c: {  	s16 =	sshll.u32 s0, $0xA;
	s2 =	sadd.s32 s3, s2  }
0x8d: {  	s2 =	sadd.s32 s2, s16  }
0x8e: {  	[smem:$0x3FC6] =	sst s2  }
0x8f: {  	_ = 	snop  }
0x90: {  	(tm) =	ssettm $0x1  }
0x91: {  	s17 =	sld [smem:$0x3FFB];
	_ =	sdelay $0x3  }
0x92: {  	_ =	strace s17  }
0x93: {  	s2 =	sld [smem:$0x3FFC];
	_ =	sdelay $0x3  }
0x94: {  	_ =	strace s2  }
0x95: {  	s2 =	sld [smem:$0x3FFD];
	_ =	sdelay $0x3  }
0x96: {  	_ =	strace s2  }
0x97: {  	_ =	strace $0x8FFFFFFF  }
0x98: {  	s18 =	sld [smem:$0x3FDB];
	_ =	sdelay $0x1  }
0x99: {  	s19 =	simm.s32 $_scs_section_size  }
0x9a: {  	s4 =	simm.s32 $_size__tile_overlayer_lowered;
	s5 =	simm.s32 $_tile_overlayer_lowered  }
0x9b: {  	s22 =	simm.s32 $0x1BFF;
	s21 =	sshll.u32 s5, $0x1;
	s2 =	sadd.s32 s19, s18  }
0x9c: {  	s6 =	simm.s32 $0x0;
	s20 =	sshll.u32 s4, $0x1;
	s4 =	sadd.s32 s21, s2  }
0x9d: {  	[timem:s6], [sflag:s22] =	dma.local [hbm:s4], s20  }
0x9e: {  	_ =	swait.ge [sflag:s22], s20  }
0x9f: {  	s3 =	ssub.s32 $0x0, s20;
	[sflag:s22] =	ssyncset.done $0x0  }
0xa0: {  	[sflag:s22] =	ssyncadd.s32 s3;
	_ =	sdelay $0x1  }
0xa1: {  	s23 =	simm.s32 $0x1B8B  }
0xa2: {  	_ =	swait.ge [sflag:s23], $0x1  }
0xa3: {  	[sflag:s23] =	ssyncset.done $0x0  }
0xa4: {  	s25 =	simm.s32 $0x1B8E;
	s24 =	sld [smem:$0x3FFE];
	[sflag:s23] =	ssyncadd.s32 $0xFFFFFFFF  }
0xa5: {  	s26 =	simm.s32 $execute0_lowered;
	[smem:$0x3FD2] =	sst s25  }
0xa6: {  	s4 =	sshll.u32 s26, $0x1;
	_ =	strace $0x8000004C;
	[dreg:$0x1] =	wrdreg $0xFFFFFFFF  }
0xa7: {  	s28 =	simm.s32 $_size_execute0_lowered;
	s2 =	sadd.s32 s2, s4;
	[dreg:$0x0] =	wrdreg $0x0  }
0xa8: {  	s4 =	sshll.u32 s28, $0x1;
	[dreg:$0x2] =	wrdreg s2  }
0xa9: {  	[dreg:$0x3] =	wrdreg s4  }
0xaa: {  	[dreg:$0x4] =	wrdreg $0xC0  }
0xab: {  	_ =	task [dreg:s6], $0x5FFFF  }
0xac: {  	[dreg:$0x1] =	wrdreg $0xFFFFFFFF  }
0xad: {  	[dreg:$0x0] =	wrdreg $0x60  }
0xae: {  	[dreg:$0x2] =	wrdreg s24  }
0xaf: {  	[dreg:$0x3] =	wrdreg $0xA  }
0xb0: {  	_ =	task.clear_ibuf [dreg:s6], $0x4FFFF;
	_ =	strace $0x9000004C  }
0xb1: {  	s29 =	simm.s32 $0xA;
	_ =	strace $0x8000004E  }
0xb2: {  	_ =	swait.ge [sflag:s29], $0x1  }
0xb3: {  	[sflag:s29] =	ssyncadd.s32 $0xFFFFFFFF  }
0xb4: {  	_ =	strace $0x9000004E  }
0xb5: {  	_ =	sfence  }
0xb6: {  	s30 =	sld [smem:$0x0];
	_ =	sdelay $0x2  }
0xb7: {  	s31 =	sshll.u32 s1, $0xD;
	s1 =	sshrl.u32 s1, $0x2  }
0xb8: {  	s3 =	sand.u32 $0x4000, s31;
	s1 =	sadd.s32 s1, s30  }
0xb9: {  	s0 =	sor.u32 s3, s0;
	s1 =	sshll.u32 s1, $0x11  }
0xba: {  	s0 =	sor.u32 s1, s0  }
0xbb: {  	s0 =	sadd.s32 $0x8F2B, s0  }
0xbc: {  	[sflag:s0] =	ssyncadd.remote.s32 $0x1  }
0xbd: {  	_ =	sfence.sel $0xFFFF  }
0xbe: {  	[dreg:$0x0] =	wrdreg $0xFFFFFFFF;
	(pc) =	sbr.abs _section_cstart, $3  }
0xbf: {  	[dreg:$0x1] =	wrdreg $0xFFFFFFFF  }
0xc0: {  	_ =	task.clear_ibuf [dreg:s6], $0x2FFFF;
	_ =	strace $0x9FFFFFFF  }
0xc1: {  	(tm) =	ssettm $0x7FFFFFFF  }
tec
execute0_lowered:
.L_overlay_start_1:
0x0: {  	(tag) =	ssettag $0x1  }
0x1: {  	s0 =	srdreg.scid;
	s5 =	rddreg [dreg:$0x0]  }
0x2: {  	s1 =	stileid.u32;
	s6 =	simm.s32 $0x1;
	s9 =	simm.s32 $0x1  }
0x3: {  	s10 =	simm.s32 $0x3;
	s13 =	simm.s32 $0x0;
	s2 =	sshll.u32 s0, $0x7  }
0x4: {  	s12 =	simm.s32 $0x0;
	s3 =	sshll.u32 s1, $0x8;
	s2 =	sand.u32 $0x80, s2  }
0x5: {  	s0 =	rddreg [dreg:$0x1];
	_ =	strace $0x8000004D;
	s2 =	sor.u32 s3, s2  }
0x6: {  	s4 =	sadd.s32 $0x1200, s5;
	[sflag:s6] =	ssyncpa.u1 $0x0;
	s8 =	ssub.s32 $0x2000, s2  }
.Ltmp0:
0x7: {  	s3 =	sadd.s32 $0xA00, s5;
	s7 =	sand.u32 $0xF80, s8;
	(pc) =	sbr.rel .LBB2_1-.Ltmp0, $4  }
0x8: {  	s5 =	sadd.s32 $0x1600, s5;
	s11 =	smov.u32 s2;
	p0 =	sne.s32 s7, $0x0  }
0x9: {  	s8 =	sshrl.u32 s8, $0xC;
	s7 =	simm.s32 $0x2;
	s9 =	simm.s32 @!p0 $0x0  }
0xa: {  	[sflag:s7] =	ssyncpa.u1 $0x0;
	p0 =	por $0x0, $0x0;
	s8 =	sadd.s32 s9, s8  }
0xb: {  	vm0 =	vmmov $0xffff;
	[sflag:s10] =	ssyncpa.u1 $0x0;
	s10 =	simm.s32 $0x0;
	s9 =	sadd.s32 $0x1, s8  }
.LBB2_4:
0xc: {  	v5 =	vld.msk [tilespmem:s18+$0x0 ss:$0x1], $0xffff  }
0xd: {  	v6 =	vand.u32 $0x1, v1;
	v7 =	vshrl.u32 v1, $0x1  }
0xe: {  	v3 =	vor.u32 v4, v3;
	vm1 =	veq.s32 v1, $0x80000000;
	v53 =	vand.u32 $0xFFF, v7  }
0xf: {  	v2 =	vor.u32 v2, v3;
	v54 =	vsel vm1, $0xFFFFFFFF, v6;
	v1 =	vsel vm1, $0xFFFFFFFF, v53  }
0x10: {  	v6 =	vshll.u32 v54, $0x7;
	v3 =	vand.u32 $0xFFFFE000, v54;
	v55 =	vand.u32 $0x7F, v1  }
0x11: {  	v1 =	vshll.u32 v1, $0x1;
	v6 =	vand.u32 $0x80, v6;
	v56 =	vshrl.u32 v5, $0x1  }
0x12: {  	v1 =	vand.u32 $0xFFFFFF00, v1;
	vm1 =	veq.s32 v5, $0x80000000;
	v57 =	vand.u32 $0xFFF, v56  }
0x13: {  	v1 =	vadd.s32 v3, v1;
	v5 =	vand.u32 $0x1, v5;
	v3 =	vsel vm1, $0xFFFFFFFF, v57  }
0x14: {  	v1 =	vor.u32 v6, v1;
	v5 =	vsel vm1, $0xFFFFFFFF, v5;
	v58 =	vshll.u32 v3, $0x1  }
0x15: {  	v59 =	vshll.u32 v5, $0x7;
	v5 =	vand.u32 $0xFFFFE000, v5;
	v6 =	vand.u32 $0xFFFFFF00, v58  }
0x16: {  	v1 =	vor.u32 v55, v1;
	v61 =	vand.u32 $0x80, v59;
	v60 =	vadd.s32 v5, v6  }
0x17: {  	[tilespmem:s16], [sflag:$0x1] =	stream.indirect_vreg.gather [hbm4b:s3+s10], $0x1, v0, vm0, $0x4038;
	v62 =	vand.u32 $0x7F, v3;
	v63 =	vor.u32 v61, v60;
	[tilespmem:$0x200] =	vst v63  }
0x18: {  	(ifvalue) =	ssetifvalue $0x7FFFFFFF;
	v0 =	vor.u32 v62, v63  }
0x19: {  	[tilespmem:s15], [sflag:$0x1] =	stream.indirect_vreg.gather [hbm4b:s3+s10], $0x1, v2, vm0, $0x4038;
	[tilespmem:$0x200] =	vst v63  }
0x1a: {  	s29 =	sadd.s32 $0x10, s15;
	(ifvalue) =	ssetifvalue $0x7FFFFFFF  }
0x1b: {  	[tilespmem:s29], [sflag:$0x1] =	stream.indirect_vreg.gather [hbm4b:s3+s10], $0x1, v1, vm0, $0x4038;
	[tilespmem:$0x200] =	vst v63  }
0x1c: {  	s15 =	sadd.s32 $0x10, s29;
	(ifvalue) =	ssetifvalue $0x7FFFFFFF  }
0x1d: {  	[tilespmem:s15], [sflag:$0x1] =	stream.indirect_vreg.gather [hbm4b:s3+s10], $0x1, v0, vm0, $0x4038;
	[tilespmem:$0x200] =	vst v63  }
0x1e: {  	_ =	swait.ge [sflag:s6], $0x80  }
0x1f: {  	s30 =	sshrl.u32 s13, $0x3;
	[sflag:s6] =	ssyncset.done $0x0  }
0x20: {  	s31 =	sand.u32 $0x7, s13;
	s15 =	sadd.s32 s5, s30;
	[sflag:s6] =	ssyncadd.s32 $0xFFFFFF80  }
0x21: {  	[hbm4b:s15+s31] =	stream.linear.scatter [tilespmem:s14], [sflag:$0x3], $0x80, $0x38;
	[tilespmem:$0x200] =	vst v63  }
.LBB2_5:
0x22: {  	s15 =	sadd.s32 $0x1000, s11  }
0x23: {  	p2 =	sgt.s32 s15, $0x1FFF  }
0x24: {  	s15 =	smov.u32 @p2 s2;
	p2 =	sne.s32 s12, s9  }
.Ltmp1:
0x25: {  	p1 =	slt.u32 s12, $0x2;
	(pc) =	sbr.rel @!p2 .LBB2_6-.Ltmp1, $4  }
0x26: {  	s14 =	simm.s32 @!p1 $0x3  }
0x27: {  	s16 =	sadd.s32 $0x1, s12;
	_ =	swait.ge @!p1 [sflag:s14], $0x80  }
0x28: {  	s13 =	smov.u32 s11;
	p0 =	por !p0, !p0;
	[sflag:s14] =	ssyncset.done @!p1 $0x0  }
0x29: {  	s12 =	smov.u32 s16;
	s11 =	smov.u32 s15;
	[sflag:s14] =	ssyncadd.s32 @!p1 $0xFFFFFF80  }
.LBB2_1:
0x2a: {  	p1 =	sge.u32 s12, s8  }
0x2b: {  	s14 =	sxor.u32 @!p1 $0xFFFFFFFF, s12  }
0x2c: {  	s31 =	sadd.s32 $0xFFFFFFFF, s12;
	s15 =	sshrl.u32 @!p1 s11, $0x3;
	s14 =	sshll.u32 @!p1 s14, $0x7  }
0x2d: {  	s16 =	sand.u32 @!p1 $0x7, s11;
	s15 =	sadd.s32 @!p1 s4, s15;
	s14 =	sand.u32 @!p1 $0x80, s14  }
0x2e: {  	[tilespmem:s14], [sflag:$0x2] =	stream.linear.gather @!p1 [hbm4b:s15+s16], $0x80, $0x38;
	[tilespmem:$0x200] =	vst v63  }
0x2f: {  	p1 =	sge.u32 s31, s8  }
.Ltmp2:
0x30: {  	_ = 	snop;
	(pc) =	sbr.rel @p1 .LBB2_5-.Ltmp2, $1  }
0x31: {  	_ =	sdelay $0x3  }
0x32: {  	s14 =	simm.s32 $0x1  }
0x33: {  	_ =	swait.ge [sflag:s7], $0x80;
	s14 =	simm.s32 @!p0 $0x0  }
0x34: {  	[sflag:s7] =	ssyncset.done $0x0;
	s14 =	sshll.u32 s14, $0x7  }
0x35: {  	[sflag:s7] =	ssyncadd.s32 $0xFFFFFF80;
	(ifvalue) =	ssetifvalue $0x7FFFFFFF;
	v0 =	vld.msk [tilespmem:s14+$0x0 ss:$0x1], $0xffff;
	_ =	sdelay $0x4  }
0x36: {  	s15 =	sadd.s32 $0x10, s14;
	v2 =	vshrl.u32 v0, $0x1  }
0x37: {  	v1 =	vld.msk [tilespmem:s15+$0x0 ss:$0x1], $0xffff;
	vm1 =	veq.s32 v0, $0x80000000;
	v2 =	vand.u32 $0xFFF, v2  }
0x38: {  	v0 =	vand.u32 $0x1, v0;
	v2 =	vsel vm1, $0xFFFFFFFF, v2  }
0x39: {  	v0 =	vsel vm1, $0xFFFFFFFF, v0;
	v3 =	vshll.u32 v2, $0x1  }
0x3a: {  	v4 =	vand.u32 $0xFFFFE000, v0;
	v0 =	vshll.u32 v0, $0x7;
	v3 =	vand.u32 $0xFFFFFF00, v3  }
0x3b: {  	v0 =	vand.u32 $0x80, v0;
	v3 =	vadd.s32 v4, v3  }
0x3c: {  	v2 =	vand.u32 $0x7F, v2;
	v4 =	vshrl.u32 v1, $0x1;
	v0 =	vor.u32 v0, v3  }
0x3d: {  	vm1 =	veq.s32 v1, $0x80000000;
	v4 =	vand.u32 $0xFFF, v4;
	v0 =	vor.u32 v2, v0  }
0x3e: {  	s16 =	sshll.u32 s12, $0x7;
	s15 =	sadd.s32 $0x10, s15;
	v1 =	vand.u32 $0x1, v1;
	v3 =	vsel vm1, $0xFFFFFFFF, v4  }
0x3f: {  	s17 =	sand.u32 $0x80, s16;
	v2 =	vsel vm1, $0xFFFFFFFF, v1;
	v1 =	vld.msk [tilespmem:s15+$0x0 ss:$0x1], $0xffff;
	v4 =	vshll.u32 v3, $0x1  }
0x40: {  	s16 =	sor.u32 $0x100, s14;
	s14 =	sor.u32 $0x100, s17;
	s17 =	simm.s32 $0x30;
	v5 =	vshll.u32 v2, $0x7;
	v6 =	vand.u32 $0xFFFFE000, v2;
	v4 =	vand.u32 $0xFFFFFF00, v4  }
0x41: {  	s18 =	sadd.s32 $0x10, s15;
	(ifvalue) =	ssetifvalue $0x7FFFFFFF;
	s15 =	sadd.s32 $0x10, s16;
	v2 =	vand.u32 $0x7F, v3;
	v3 =	vadd.s32 v6, v4;
	v4 =	vand.u32 $0x80, v5  }
.LBB2_3:
0x42: {  	[tilespmem:s16], [sflag:$0x1] =	stream.indirect_vreg.gather [hbm4b:s3+s10], $0x1, v0, vm0, $0x4038;
	[tilespmem:$0x200] =	vst v63  }
0x43: {  	s17 =	sadd.s32 $0x10, s17  }
0x44: {  	v5 =	vand.u32 $0x1, v1;
	v6 =	vshrl.u32 v1, $0x1;
	v3 =	vor.u32 v4, v3;
	v0 =	vmovc v1;
	v1 =	vld.msk [tilespmem:s18+$0x0 ss:$0x1], $0xffff;
	p1 =	slt.u32 s17, $0x70  }
.Ltmp3:
0x45: {  	s16 =	smov.u32 s15;
	vm1 =	veq.s32 v0, $0x80000000;
	v4 =	vand.u32 $0xFFF, v6;
	v0 =	vor.u32 v2, v3;
	(pc) =	sbr.rel @p1 .LBB2_3-.Ltmp3, $4  }
0x46: {  	v3 =	vsel vm1, $0xFFFFFFFF, v5;
	v4 =	vsel vm1, $0xFFFFFFFF, v4  }
0x47: {  	v2 =	vand.u32 $0x7F, v4;
	v4 =	vshll.u32 v4, $0x1;
	v5 =	vshll.u32 v3, $0x7  }
0x48: {  	v3 =	vand.u32 $0xFFFFE000, v3;
	v4 =	vand.u32 $0xFFFFFF00, v4  }
0x49: {  	s18 =	sadd.s32 $0x10, s18;
	s15 =	sadd.s32 $0x10, s15;
	v3 =	vadd.s32 v3, v4;
	v4 =	vand.u32 $0x80, v5;
	(ifvalue) =	ssetifvalue $0x7FFFFFFF  }
.Ltmp4:
0x4a: {  	_ = 	snop;
	(pc) =	sbr.rel .LBB2_4-.Ltmp4, $1  }
0x4b: {  	_ =	sdelay $0x3  }
.LBB2_6:
0x4c: {  	_ =	sfence.sel $0x180000  }
0x4d: {  	s2 =	simm.s32 $0x2;
	[bflag:$0x0] =	sbarrier.arrive $0xFFFF  }
0x4e: {  	s30 =	simm.s32 $0x3;
	[sflag:s2] =	ssyncpa.u1 $0x1  }
0x4f: {  	s31 =	simm.s32 $0x1;
	[sflag:s30] =	ssyncpa.u1 $0x1  }
0x50: {  	[sflag:s31] =	ssyncpa.u1 $0x1  }
0x51: {  	p0 =	sne.s32 s1, $0x0;
	_ =	strace $0x9000004D  }
0x52: {  	s0 =	sadd.s32 @!p0 $0x100000, s0;
	[bflag:$0x2] =	sbarrier.arrive $0xFFFF  }
0x53: {  	[sflag:s0] =	ssyncadd.tile.s32 @!p0 $0x1;
	_ =	shalt  }
.Lfunc_end2:
_tile_overlayer_lowered:
.L_overlay_start_2:
0x54: {  	(tag) =	ssettag $0x2  }
0x55: {  	s0 =	rddreg [dreg:$0x0];
	s2 =	stileid.u32  }
0x56: {  	s1 =	rddreg [dreg:$0x1];
	p0 =	sne.s32 s2, $0x0  }
0x57: {  	s3 =	rddreg [dreg:$0x2];
	[bflag:$0x3] =	sbarrier.arrive $0xFFFF;
	s2 =	simm.s32 @!p0 $0x1C01  }
0x58: {  	[timem:s3], [sflag:s2] =	dma.local @!p0 [hbm:s0], s1  }
0x59: {  	s0 =	simm.s32 @!p0 $0x1  }
0x5a: {  	_ =	swait.ge @!p0 [sflag:s0], s1  }
0x5b: {  	s1 =	ssub.s32 @!p0 $0x0, s1;
	[sflag:s0] =	ssyncset.done @!p0 $0x0  }
0x5c: {  	[sflag:s0] =	ssyncadd.s32 @!p0 s1  }
0x5d: {  	[bflag:$0x3] =	sbarrier.arrive $0xFFFF  }
0x5e: {  	_ =	shalt  }

// kernel: gather_offload_async_start
scs
__scs_entry_jumppad:
0x0: {  	(pc) =	sbr.rel $0x88, $3  }
0x1: {  	(tag) =	ssettag $0x0;
	lr =	simm.s32 $0x1  }
0x2: {  	[smem:$0x3F9F] =	sst lr;
	_ =	strace $0xD0000000  }
0x3: {  	_ = 	snop  }
0x4: {  	_ = 	snop  }
0x5: {  	_ = 	snop  }
0x6: {  	_ = 	snop  }
0x7: {  	_ = 	snop  }
__scs_overlays_trampoline_lowered:
0x8: {  	[smem:$0x3FAE] =	sst s0  }
0x9: {  	[smem:$0x3FAF] =	sst s1  }
0xa: {  	[smem:$0x3FB0] =	sst s2  }
0xb: {  	[smem:$0x3FB1] =	sst s3  }
0xc: {  	[smem:$0x3FB2] =	sst s4  }
0xd: {  	[smem:$0x3FB3] =	sst s5  }
0xe: {  	[smem:$0x3FB4] =	sst s6  }
0xf: {  	[smem:$0x3FB5] =	sst s7  }
0x10: {  	[smem:$0x3FB6] =	sst s8  }
0x11: {  	[smem:$0x3FB7] =	sst s9;
	s0 =	simm.s32 @!p0 $0x0  }
0x12: {  	s1 =	sld [smem:$0x3F9D];
	s0 =	simm.s32 @p0 $0x1  }
0x13: {  	[smem:$0x3FB8] =	sst s0;
	s0 =	simm.s32 @!p1 $0x0  }
0x14: {  	s2 =	sld [smem:$0x3F9C];
	s0 =	simm.s32 @p1 $0x1  }
0x15: {  	[smem:$0x3FB9] =	sst s0;
	s0 =	simm.s32 @!p2 $0x0  }
0x16: {  	s3 =	sld [smem:$0x3FDB];
	s0 =	simm.s32 @p2 $0x1  }
0x17: {  	s4 =	simm.s32 $0x1BF5;
	[smem:$0x3FBB] =	sst s0  }
0x18: {  	s0 =	sld [smem:$0x3F9E];
	_ =	swait.ge [sflag:s4], $0x0  }
0x19: {  	s7 =	sld [smem:$0x3F9F]  }
0x1a: {  	s8 =	sadd.s32 $0xFFFFE003, lr  }
0x1b: {  	s9 =	sadd.s32 $0xFFFFFEF7, lr;
	s5 =	simm.s32 $0xFFFFFFFF;
	p2 =	slt.u32 s8, $0xFFFFF086  }
0x1c: {  	p1 =	slt.u32 s9, $0xF7A;
	s5 =	simm.s32 @!p2 $0x0  }
0x1d: {  	s5 =	simm.s32 @p1 $0x1;
	p0 =	seq.s32 s7, s2  }
0x1e: {  	s7 =	smul.u32 @!p0 $0xF7A, s2;
	p2 =	seq.s32 @!p0 s5, $0x0  }
0x1f: {  	s9 =	smul.u32 $0xF7A, s1;
	s8 =	simm.s32 @!p0 $0x1BF5;
	p2 =	por !p2, p0  }
0x20: {  	[sflag:s8] =	ssyncset.s32 @!p0 $0xFFFFF086;
	s6 =	sadd.s32 @!p0 s3, s7;
	s7 =	simm.s32 @!p0 $0x108  }
0x21: {  	s3 =	sadd.s32 s3, s9;
	s6 =	sadd.s32 @!p0 $0x88, s6;
	s7 =	simm.s32 @p2 $0x1082  }
0x22: {  	[simem:s7], [sflag:s8] =	dma.local @!p0 [hbm:s6], $0xF7A  }
0x23: {  	s9 =	sor.u32 $0xD0000000, s2;
	s6 =	simm.s32 $0x108;
	_ =	swait.ge @!p0 [sflag:s8], $0x0  }
0x24: {  	s3 =	sadd.s32 $0x88, s3;
	s6 =	simm.s32 @!p1 $0x1082;
	[sflag:s4] =	ssyncset.s32 $0xFFFFF086  }
0x25: {  	[simem:s6], [sflag:s4] =	dma.local [hbm:s3], $0xF7A  }
0x26: {  	[smem:$0x3F9F] =	sst s1;
	(tag) =	ssettag s2;
	_ =	strace s9  }
0x27: {  	s1 =	sld [smem:$0x3FAF]  }
0x28: {  	s2 =	sld [smem:$0x3FB0]  }
0x29: {  	s4 =	sld [smem:$0x3FB2]  }
0x2a: {  	p0 =	seq.s32 s5, $0x0;
	s5 =	sld [smem:$0x3FB3]  }
0x2b: {  	s6 =	sld [smem:$0x3FB4]  }
0x2c: {  	s7 =	sld [smem:$0x3FB5]  }
0x2d: {  	s3 =	simm.s32 $0x108;
	s8 =	sld [smem:$0x3FB6]  }
0x2e: {  	s3 =	simm.s32 @!p0 $0x1082;
	s9 =	sld [smem:$0x3FB7]  }
0x2f: {  	lr =	sadd.s32 s0, s3;
	s0 =	sld [smem:$0x3FAE]  }
0x30: {  	s3 =	sld [smem:$0x3FB1]  }
0x31: {  	[smem:$0x3FBA] =	sst s10  }
0x32: {  	s10 =	sld [smem:$0x3FB8];
	_ =	sdelay $0x3  }
0x33: {  	p0 =	seq.s32 s10, $0x1;
	s10 =	sld [smem:$0x3FBA];
	_ =	sdelay $0x3  }
0x34: {  	[smem:$0x3FBA] =	sst s10  }
0x35: {  	s10 =	sld [smem:$0x3FB9];
	_ =	sdelay $0x3  }
0x36: {  	p1 =	seq.s32 s10, $0x1;
	s10 =	sld [smem:$0x3FBA];
	_ =	sdelay $0x3  }
0x37: {  	[smem:$0x3FBA] =	sst s10  }
0x38: {  	s10 =	sld [smem:$0x3FBB]  }
0x39: {  	_ = 	snop;
	(pc) =	sbr.ind lr, $3  }
0x3a: {  	_ = 	snop  }
0x3b: {  	_ = 	snop  }
0x3c: {  	p2 =	seq.s32 s10, $0x1;
	s10 =	sld [smem:$0x3FBA]  }
0x3d: {  	_ =	shalt  }
0x3e: {  	_ =	shalt  }
0x3f: {  	_ =	shalt  }
0x40: {  	_ =	shalt  }
0x41: {  	_ =	shalt  }
0x42: {  	_ =	shalt  }
0x43: {  	_ =	shalt  }
0x44: {  	_ =	shalt  }
0x45: {  	_ =	shalt  }
0x46: {  	_ =	shalt  }
0x47: {  	_ =	shalt  }
0x48: {  	_ =	shalt  }
0x49: {  	_ =	shalt  }
0x4a: {  	_ =	shalt  }
0x4b: {  	_ =	shalt  }
0x4c: {  	_ =	shalt  }
0x4d: {  	_ =	shalt  }
0x4e: {  	_ =	shalt  }
0x4f: {  	_ =	shalt  }
0x50: {  	_ =	shalt  }
0x51: {  	_ =	shalt  }
0x52: {  	_ =	shalt  }
0x53: {  	_ =	shalt  }
0x54: {  	_ =	shalt  }
0x55: {  	_ =	shalt  }
0x56: {  	_ =	shalt  }
0x57: {  	_ =	shalt  }
0x58: {  	_ =	shalt  }
0x59: {  	_ =	shalt  }
0x5a: {  	_ =	shalt  }
0x5b: {  	_ =	shalt  }
0x5c: {  	_ =	shalt  }
0x5d: {  	_ =	shalt  }
0x5e: {  	_ =	shalt  }
0x5f: {  	_ =	shalt  }
0x60: {  	_ =	shalt  }
0x61: {  	_ =	shalt  }
0x62: {  	_ =	shalt  }
0x63: {  	_ =	shalt  }
0x64: {  	_ =	shalt  }
0x65: {  	_ =	shalt  }
0x66: {  	_ =	shalt  }
0x67: {  	_ =	shalt  }
0x68: {  	_ =	shalt  }
0x69: {  	_ =	shalt  }
0x6a: {  	_ =	shalt  }
0x6b: {  	_ =	shalt  }
0x6c: {  	_ =	shalt  }
0x6d: {  	_ =	shalt  }
0x6e: {  	_ =	shalt  }
0x6f: {  	_ =	shalt  }
0x70: {  	_ =	shalt  }
0x71: {  	_ =	shalt  }
0x72: {  	_ =	shalt  }
0x73: {  	_ =	shalt  }
0x74: {  	_ =	shalt  }
0x75: {  	_ =	shalt  }
0x76: {  	_ =	shalt  }
0x77: {  	_ =	shalt  }
0x78: {  	_ =	shalt  }
0x79: {  	_ =	shalt  }
0x7a: {  	_ =	shalt  }
0x7b: {  	_ =	shalt  }
0x7c: {  	_ =	shalt  }
0x7d: {  	_ =	shalt  }
0x7e: {  	_ =	shalt  }
0x7f: {  	_ =	shalt  }
0x80: {  	_ =	shalt  }
0x81: {  	_ =	shalt  }
0x82: {  	_ =	shalt  }
0x83: {  	_ =	shalt  }
0x84: {  	_ =	shalt  }
0x85: {  	_ =	shalt  }
0x86: {  	_ =	shalt  }
0x87: {  	_ =	shalt  }
.Lfunc_end0:
.L_simem_size_0:
called_computation_lowered:
.L_overlay_start_0:
0x88: {  	s2 =	sld [smem:$0x3FD9]  }
0x89: {  	s3 =	sld [smem:$0x3FFE];
	_ =	sdelay $0x1  }
0x8a: {  	s1 =	srdreg.scid  }
0x8b: {  	s0 =	sand.u32 $0x1, s1  }
0x8c: {  	s17 =	sshll.u32 s0, $0xA;
	s2 =	sadd.s32 s3, s2  }
0x8d: {  	s2 =	sadd.s32 s2, s17  }
0x8e: {  	[smem:$0x3FC6] =	sst s2  }
0x8f: {  	_ = 	snop  }
0x90: {  	s2 =	sld [smem:$0x3FD0];
	(tm) =	ssettm $0x1  }
0x91: {  	s18 =	sld [smem:$0x3FFB];
	_ =	sdelay $0x3  }
0x92: {  	_ =	strace s18  }
0x93: {  	s3 =	sld [smem:$0x3FFC];
	_ =	sdelay $0x3  }
0x94: {  	_ =	strace s3  }
0x95: {  	s3 =	sld [smem:$0x3FFD];
	_ =	sdelay $0x3  }
0x96: {  	_ =	strace s3  }
0x97: {  	_ =	strace $0x8FFFFFFF  }
0x98: {  	s19 =	sld [smem:$0x3FDB];
	_ =	sdelay $0x1  }
0x99: {  	s4 =	simm.s32 $_scs_section_size  }
0x9a: {  	s5 =	simm.s32 $_size__tile_overlayer_lowered;
	s6 =	simm.s32 $_tile_overlayer_lowered  }
0x9b: {  	s22 =	simm.s32 $0x1BFF;
	s21 =	sshll.u32 s6, $0x1;
	s3 =	sadd.s32 s4, s19  }
0x9c: {  	s7 =	simm.s32 $0x0;
	s20 =	sshll.u32 s5, $0x1;
	s5 =	sadd.s32 s21, s3  }
0x9d: {  	[timem:s7], [sflag:s22] =	dma.local [hbm:s5], s20  }
0x9e: {  	_ =	swait.ge [sflag:s22], s20  }
0x9f: {  	s4 =	ssub.s32 $0x0, s20;
	[sflag:s22] =	ssyncset.done $0x0  }
0xa0: {  	[sflag:s22] =	ssyncadd.s32 s4;
	_ =	sdelay $0x1  }
0xa1: {  	s23 =	simm.s32 $0x1B8B  }
0xa2: {  	_ =	swait.ge [sflag:s23], $0x1  }
0xa3: {  	[sflag:s23] =	ssyncset.done $0x0  }
0xa4: {  	s25 =	simm.s32 $0x1B8E;
	s24 =	sld [smem:$0x3FFE];
	[sflag:s23] =	ssyncadd.s32 $0xFFFFFFFF  }
0xa5: {  	s26 =	simm.s32 $execute0_lowered;
	[smem:$0x3FD2] =	sst s25  }
0xa6: {  	s5 =	sshll.u32 s26, $0x1;
	_ =	strace $0x80000055;
	[dreg:$0x1] =	wrdreg $0xFFFFFFFF  }
0xa7: {  	s28 =	simm.s32 $_size_execute0_lowered;
	s3 =	sadd.s32 s3, s5;
	[dreg:$0x0] =	wrdreg $0x0  }
0xa8: {  	s5 =	sshll.u32 s28, $0x1;
	[dreg:$0x2] =	wrdreg s3  }
0xa9: {  	[dreg:$0x3] =	wrdreg s5  }
0xaa: {  	[dreg:$0x4] =	wrdreg $0xC0  }
0xab: {  	_ =	task [dreg:s7], $0x5FFFF  }
0xac: {  	[dreg:$0x1] =	wrdreg $0xFFFFFFFF  }
0xad: {  	[dreg:$0x0] =	wrdreg $0x60  }
0xae: {  	[dreg:$0x2] =	wrdreg s2  }
0xaf: {  	[dreg:$0x3] =	wrdreg s24  }
0xb0: {  	[dreg:$0x4] =	wrdreg $0x9  }
0xb1: {  	_ =	task.clear_ibuf [dreg:s7], $0x5FFFF;
	_ =	strace $0x90000055  }
0xb2: {  	s29 =	simm.s32 $0x9;
	_ =	strace $0x80000057  }
0xb3: {  	_ =	swait.ge [sflag:s29], $0x1  }
0xb4: {  	[sflag:s29] =	ssyncadd.s32 $0xFFFFFFFF  }
0xb5: {  	_ =	strace $0x90000057  }
0xb6: {  	_ =	sfence  }
0xb7: {  	s30 =	sld [smem:$0x0];
	_ =	sdelay $0x2  }
0xb8: {  	s31 =	sshll.u32 s1, $0xD;
	s1 =	sshrl.u32 s1, $0x2  }
0xb9: {  	s3 =	sand.u32 $0x4000, s31;
	s1 =	sadd.s32 s1, s30  }
0xba: {  	s0 =	sor.u32 s3, s0;
	s1 =	sshll.u32 s1, $0x11  }
0xbb: {  	s0 =	sor.u32 s1, s0  }
0xbc: {  	s0 =	sadd.s32 $0x8F2B, s0  }
0xbd: {  	[sflag:s0] =	ssyncadd.remote.s32 $0x1  }
0xbe: {  	_ =	sfence.sel $0xFFFF  }
0xbf: {  	[dreg:$0x0] =	wrdreg $0xFFFFFFFF;
	(pc) =	sbr.abs _section_cstart, $3  }
0xc0: {  	[dreg:$0x1] =	wrdreg $0xFFFFFFFF  }
0xc1: {  	_ =	task.clear_ibuf [dreg:s7], $0x2FFFF;
	_ =	strace $0x9FFFFFFF  }
0xc2: {  	(tm) =	ssettm $0x7FFFFFFF  }
0xc3: {  	_ =	shalt  }
tec
execute0_lowered:
.L_overlay_start_1:
0x0: {  	(tag) =	ssettag $0x1  }
0x1: {  	s2 =	rddreg [dreg:$0x0]  }
0x2: {  	s7 =	rddreg [dreg:$0x1]  }
0x3: {  	s0 =	rddreg [dreg:$0x2]  }
0x4: {  	s1 =	srdreg.scid;
	_ =	strace $0x80000056;
	s4 =	simm.s32 $0x1  }
0x5: {  	s9 =	simm.s32 $0x3;
	s12 =	simm.s32 $0x0;
	s5 =	sshll.u32 s1, $0x4  }
.Ltmp0:
0x6: {  	s1 =	stileid.u32;
	s5 =	sand.u32 $0x10, s5;
	(pc) =	sbr.rel .LBB2_1-.Ltmp0, $4  }
0x7: {  	s10 =	simm.s32 $0x0;
	s3 =	sadd.s32 $0xE00, s7;
	s6 =	sor.u32 s1, s5  }
0x8: {  	[sflag:s4] =	ssyncpa.u1 $0x0;
	s5 =	simm.s32 $0x2;
	s6 =	sshll.u32 s6, $0x8  }
0x9: {  	s7 =	sadd.s32 $0x1200, s7;
	[sflag:s5] =	ssyncpa.u1 $0x0;
	s8 =	sadd.s32 $0x100, s6  }
0xa: {  	vm0 =	vmmov $0xff;
	vm1 =	vcmask $0x3F20;
	[sflag:s9] =	ssyncpa.u1 $0x0;
	s9 =	simm.s32 $0x100;
	s11 =	smov.u32 s6  }
.LBB2_9:
0xb: {  	p0 =	seq.s32 s10, $0x2  }
.Ltmp1:
0xc: {  	_ = 	snop;
	(pc) =	sbr.rel @p0 .LBB2_11-.Ltmp1, $1  }
0xd: {  	_ =	sdelay $0x3  }
.LBB2_10:
0xe: {  	s12 =	sadd.s32 $0x100, s11  }
0xf: {  	s13 =	smov.u32 s6;
	p0 =	slt.s32 s12, s8  }
0x10: {  	s13 =	smov.u32 @p0 s12  }
0x11: {  	s10 =	sadd.s32 $0x1, s10;
	s12 =	smov.u32 s11;
	s11 =	smov.u32 s13  }
.LBB2_1:
0x12: {  	p0 =	sne.s32 s10, $0x0  }
.Ltmp2:
0x13: {  	_ = 	snop;
	(pc) =	sbr.rel @!p0 .LBB2_2-.Ltmp2, $1  }
0x14: {  	_ =	sdelay $0x3  }
0x15: {  	s13 =	sand.u32 $0x1, s10  }
0x16: {  	p0 =	seq.s32 s13, $0x0  }
.Ltmp3:
0x17: {  	_ = 	snop;
	(pc) =	sbr.rel @p0 .LBB2_9-.Ltmp3, $1  }
0x18: {  	_ =	sdelay $0x3  }
0x19: {  	_ =	swait.ge [sflag:s5], $0x100  }
0x1a: {  	[sflag:s5] =	ssyncset.done $0x0  }
0x1b: {  	s13 =	simm.s32 $0x0;
	[sflag:s5] =	ssyncadd.s32 $0xFFFFFF00  }
0x1c: {  	v0 =	vld.msk [tilespmem:s13+$0x100 ss:$0x1], $0xffff;
	_ =	sdelay $0x4  }
0x1d: {  	vm2 =	vgt.s32 v0, $0x0  }
0x1e: {  	v0 =	vnsel vm2, $0x0, v0  }
0x1f: {  	v0 =	vmin.u32 v0, $0x1FFF  }
0x20: {  	v0 =	vshll.u32 v0, $0x4;
	_ =	sdelay $0x3  }
0x21: {  	s13 =	simm.s32 $0x8200  }
0x22: {  	[tilespmem:s13], [sflag:$0x1] =	stream.indirect_vreg.gather [hbm:s2], $0x80, v0, vm0, $0x38;
	[tilespmem:$0x10200] =	vst v63  }
0x23: {  	s14 =	simm.s32 $0x8600;
	s31 =	simm.s32 $0x10  }
0x24: {  	[tilespmem:s14], [sflag:$0x1] =	stream.indirect_vreg.gather [hbm:s2], $0x80, v0, vm1, $0x38;
	[tilespmem:$0x10200] =	vst v63  }
0x25: {  	s14 =	simm.s32 $0x80;
	v0 =	vld.msk [tilespmem:s31+$0x100 ss:$0x1], $0xffff  }
.LBB2_5:
0x26: {  	p0 =	sne.s32 s14, $0x3C0;
	_ =	sdelay $0x4  }
0x27: {  	vm2 =	vgt.s32 v0, $0x0  }
0x28: {  	v0 =	vnsel vm2, $0x0, v0  }
0x29: {  	v0 =	vmin.u32 v0, $0x1FFF  }
0x2a: {  	v0 =	vshll.u32 v0, $0x4;
	_ =	sdelay $0x3  }
.Ltmp4:
0x2b: {  	s13 =	sadd.s32 $0x800, s13;
	(pc) =	sbr.rel @p0 .LBB2_5-.Ltmp4, $4  }
0x2c: {  	[tilespmem:s13], [sflag:$0x1] =	stream.indirect_vreg.gather [hbm:s2], $0x80, v0, vm0, $0x38;
	[tilespmem:$0x10200] =	vst v63  }
0x2d: {  	s15 =	sshra.s32 s14, $0x2;
	s16 =	sadd.s32 $0x400, s13  }
0x2e: {  	[tilespmem:s16], [sflag:$0x1] =	stream.indirect_vreg.gather [hbm:s2], $0x80, v0, vm1, $0x38;
	[tilespmem:$0x10200] =	vst v63  }
0x2f: {  	s14 =	sadd.s32 $0x40, s14;
	v0 =	vld.msk [tilespmem:s15+$0x100 ss:$0x1], $0xffff  }
0x30: {  	_ =	sdelay $0x3  }
0x31: {  	vm2 =	vgt.s32 v0, $0x0  }
0x32: {  	v0 =	vnsel vm2, $0x0, v0  }
0x33: {  	v0 =	vmin.u32 v0, $0x1FFF  }
0x34: {  	v0 =	vshll.u32 v0, $0x4;
	_ =	sdelay $0x3  }
0x35: {  	s13 =	sadd.s32 $0x800, s13  }
0x36: {  	[tilespmem:s13], [sflag:$0x1] =	stream.indirect_vreg.gather [hbm:s2], $0x80, v0, vm0, $0x38;
	[tilespmem:$0x10200] =	vst v63  }
0x37: {  	s13 =	sadd.s32 $0x400, s13  }
0x38: {  	[tilespmem:s13], [sflag:$0x1] =	stream.indirect_vreg.gather [hbm:s2], $0x80, v0, vm1, $0x38;
	[tilespmem:$0x10200] =	vst v63  }
0x39: {  	s12 =	sshll.u32 s12, $0x4;
	s14 =	simm.s32 $0x80;
	_ =	swait.ge [sflag:s4], $0x8000  }
0x3a: {  	s15 =	simm.s32 $0x8600;
	s12 =	sadd.s32 s12, s7;
	[sflag:s4] =	ssyncset.done $0x0  }
0x3b: {  	s16 =	sadd.s32 $0x0, s12;
	s13 =	simm.s32 $0x8200;
	[sflag:s4] =	ssyncadd.s32 $0xFFFF8000  }
.LBB2_7:
0x3c: {  	[hbm:s16] =	stream.linear.scatter [tilespmem:s13], [sflag:$0x3], $0x400, $0x38;
	[tilespmem:$0x10200] =	vst v63  }
0x3d: {  	s16 =	smov.u32 s14;
	s13 =	smov.u32 s15;
	p0 =	sne.s32 s14, $0xF80  }
.Ltmp5:
0x3e: {  	s14 =	sadd.s32 $0x80, s14;
	(pc) =	sbr.rel @p0 .LBB2_7-.Ltmp5, $2  }
0x3f: {  	_ =	sdelay $0x2  }
0x40: {  	s15 =	sadd.s32 $0x400, s15;
	s16 =	sadd.s32 s16, s12  }
.Ltmp6:
0x41: {  	(pc) =	sbr.rel .LBB2_9-.Ltmp6, $2  }
0x42: {  	_ =	sdelay $0x2  }
0x43: {  	[hbm:s16] =	stream.linear.scatter [tilespmem:s13], [sflag:$0x3], $0x400, $0x38;
	[tilespmem:$0x10200] =	vst v63  }
.LBB2_2:
.Ltmp7:
0x44: {  	(pc) =	sbr.rel .LBB2_10-.Ltmp7, $4  }
0x45: {  	_ = 	snop  }
0x46: {  	s12 =	sshrl.u32 s11, $0x3  }
0x47: {  	s13 =	sand.u32 $0x7, s11;
	s12 =	sadd.s32 s3, s12  }
0x48: {  	[tilespmem:s9], [sflag:$0x2] =	stream.linear.gather [hbm4b:s12+s13], $0x100, $0x38;
	[tilespmem:$0x10200] =	vst v63  }
.LBB2_11:
0x49: {  	s2 =	simm.s32 $0x3  }
0x4a: {  	_ =	swait.ge [sflag:s2], $0x8000  }
0x4b: {  	[sflag:s2] =	ssyncset.done $0x0  }
0x4c: {  	[sflag:s2] =	ssyncadd.s32 $0xFFFF8000  }
0x4d: {  	_ =	sfence.sel $0x180000  }
0x4e: {  	s3 =	simm.s32 $0x2;
	[bflag:$0x0] =	sbarrier.arrive $0xFFFF  }
0x4f: {  	[sflag:s3] =	ssyncpa.u1 $0x1  }
0x50: {  	s31 =	simm.s32 $0x1;
	[sflag:s2] =	ssyncpa.u1 $0x1  }
0x51: {  	[sflag:s31] =	ssyncpa.u1 $0x1  }
0x52: {  	p0 =	sne.s32 s1, $0x0;
	_ =	strace $0x90000056  }
0x53: {  	s0 =	sadd.s32 @!p0 $0x100000, s0;
	[bflag:$0x2] =	sbarrier.arrive $0xFFFF  }
0x54: {  	[sflag:s0] =	ssyncadd.tile.s32 @!p0 $0x1;
	_ =	shalt  }
.Lfunc_end2:
_tile_overlayer_lowered:
.L_overlay_start_2:
0x55: {  	(tag) =	ssettag $0x2  }
0x56: {  	s0 =	rddreg [dreg:$0x0];
	s2 =	stileid.u32  }
0x57: {  	s1 =	rddreg [dreg:$0x1];
	p0 =	sne.s32 s2, $0x0  }
0x58: {  	s3 =	rddreg [dreg:$0x2];
	[bflag:$0x3] =	sbarrier.arrive $0xFFFF;
	s2 =	simm.s32 @!p0 $0x1C01  }
0x59: {  	[timem:s3], [sflag:s2] =	dma.local @!p0 [hbm:s0], s1  }
0x5a: {  	s0 =	simm.s32 @!p0 $0x1  }
0x5b: {  	_ =	swait.ge @!p0 [sflag:s0], s1  }
0x5c: {  	s1 =	ssub.s32 @!p0 $0x0, s1;
	[sflag:s0] =	ssyncset.done @!p0 $0x0  }
0x5d: {  	[sflag:s0] =	ssyncadd.s32 @!p0 s1  }
0x5e: {  	[bflag:$0x3] =	sbarrier.arrive $0xFFFF  }
0x5f: {  	_ =	shalt  }

</sc_bundles>
